<compile_context>
chip_gen: v7x
topology: tpu7x:2x2x1
jax: 0.10.2.dev20260603
libtpu: 0.0.44.dev20260713+nightly
codegen_flags: <defaults>
</compile_context>

<pallas_src>
import jax
import jax.numpy as jnp
from jax import lax
from jax.experimental import pallas as pl
from jax.experimental.pallas import tpu as pltpu
from jax.experimental.pallas import tpu_sc as plsc

V = 1000000
B = 16384
D = 16
NC = 2
NS = 16
NW = NC * NS
BPW = B // NW
OPW = BPW * D

DT_BLK = 16384
DT_GRID = -(-V // DT_BLK)

TC_GRID = 8
TC_BLK = B // TC_GRID


def _tc_detile(wt, out):
    bits = lax.bitcast_convert_type(wt[...], jnp.int32) + jnp.int32(0x8000)
    lo = bits[:, : DT_BLK // 2]
    hi = bits[:, DT_BLK // 2:]
    packed = lax.shift_right_logical(lo, 16) | (hi & jnp.int32(-65536))
    out[...] = packed.reshape(D * DT_BLK // 2)


def _detile(w_t):
    return pl.pallas_call(
        _tc_detile,
        out_shape=jax.ShapeDtypeStruct((DT_GRID * DT_BLK * D // 2,), jnp.int32),
        grid=(DT_GRID,),
        in_specs=[pl.BlockSpec((D, DT_BLK), lambda i: (0, i))],
        out_specs=pl.BlockSpec((DT_BLK * D // 2,), lambda i: (i,)),
    )(w_t)


def _unpack(raw_refs, sh_refs, out_refs):
    def vec(g, carry):
        sl = pl.ds(g * 16, 16)
        for raw, sh, out in zip(raw_refs, sh_refs, out_refs):
            bits = lax.shift_left(lax.shift_right_logical(raw[sl], sh[sl]), 16)
            out[sl] = lax.bitcast_convert_type(bits, jnp.float32)
        return carry

    lax.fori_loop(0, OPW // 16, vec, 0)


def _sc_tags(pos_i, neg_i, pos_s, neg_s,
             w_tu, w_ti,
             pu_o, pi_o, nu_o, ni_o,
             pos_v, neg_v, psh_v, nsh_v,
             pu_r, pi_r, nu_r, ni_r,
             pu_v, pi_v, nu_v, ni_v,
             gsem, wsem):
    wid = lax.axis_index("s") * NC + lax.axis_index("c")
    pltpu.sync_copy(pos_i.at[wid], pos_v)
    pltpu.sync_copy(neg_i.at[wid], neg_v)
    pltpu.sync_copy(pos_s.at[wid], psh_v)
    pltpu.sync_copy(neg_s.at[wid], nsh_v)
    gds = [
        pltpu.async_copy(w_tu.at[pos_v], pu_r, gsem),
        pltpu.async_copy(w_ti.at[pos_v], pi_r, gsem),
        pltpu.async_copy(w_tu.at[neg_v], nu_r, gsem),
        pltpu.async_copy(w_ti.at[neg_v], ni_r, gsem),
    ]
    for dsc in gds:
        dsc.wait()
    _unpack((pu_r, pi_r, nu_r, ni_r), (psh_v, psh_v, nsh_v, nsh_v),
            (pu_v, pi_v, nu_v, ni_v))
    out_sl = pl.ds(wid * OPW, OPW)
    wds = [
        pltpu.async_copy(pu_v, pu_o.at[out_sl], wsem),
        pltpu.async_copy(pi_v, pi_o.at[out_sl], wsem),
        pltpu.async_copy(nu_v, nu_o.at[out_sl], wsem),
        pltpu.async_copy(ni_v, ni_o.at[out_sl], wsem),
    ]
    for dsc in wds:
        dsc.wait()


def _sc_ids(usr_i, itm_i, usr_s, itm_s,
            w_u, w_i,
            user_o, item_o,
            usr_v, itm_v, ush_v, ish_v,
            u_r, i_r,
            u_v, i_v,
            gsem, wsem):
    wid = lax.axis_index("s") * NC + lax.axis_index("c")
    pltpu.sync_copy(usr_i.at[wid], usr_v)
    pltpu.sync_copy(itm_i.at[wid], itm_v)
    pltpu.sync_copy(usr_s.at[wid], ush_v)
    pltpu.sync_copy(itm_s.at[wid], ish_v)
    gds = [
        pltpu.async_copy(w_u.at[usr_v], u_r, gsem),
        pltpu.async_copy(w_i.at[itm_v], i_r, gsem),
    ]
    for dsc in gds:
        dsc.wait()
    _unpack((u_r, i_r), (ush_v, ish_v), (u_v, i_v))
    out_sl = pl.ds(wid * OPW, OPW)
    wds = [
        pltpu.async_copy(u_v, user_o.at[out_sl], wsem),
        pltpu.async_copy(i_v, item_o.at[out_sl], wsem),
    ]
    for dsc in wds:
        dsc.wait()


def _tc_logits(pu, pi, nu, ni, u, it, out):
    t = (pu[...] - nu[...]) * u[...] + (pi[...] - ni[...]) * it[...]
    out[...] = jnp.sum(t, axis=1)


def _word_offsets(idx):
    i = idx.astype(jnp.int32)
    m = i % DT_BLK
    base = (i // DT_BLK) * (DT_BLK * D // 2) + m % (DT_BLK // 2)
    o = base[:, None] + (jnp.arange(D, dtype=jnp.int32) * (DT_BLK // 2))[None, :]
    sh = jnp.broadcast_to(((m // (DT_BLK // 2)) * 16)[:, None], (B, D))
    return o.reshape(NW, OPW), sh.reshape(NW, OPW)


@jax.jit
def kernel(pos_tag_input, neg_tag_input, user_ids, item_ids,
           W_tag_user, W_tag_item, W_user, W_item):
    pos_o, pos_s = _word_offsets(pos_tag_input)
    neg_o, neg_s = _word_offsets(neg_tag_input)
    usr_o, usr_s = _word_offsets(user_ids)
    itm_o, itm_s = _word_offsets(item_ids)

    w_tu = _detile(W_tag_user.T)
    w_ti = _detile(W_tag_item.T)
    w_u = _detile(W_user.T)
    w_i = _detile(W_item.T)

    mesh = plsc.VectorSubcoreMesh(core_axis_name="c", subcore_axis_name="s")
    flat = jax.ShapeDtypeStruct((B * D,), jnp.float32)
    tags_call = pl.kernel(
        _sc_tags,
        mesh=mesh,
        out_type=(flat,) * 4,
        scratch_types=[
            pltpu.VMEM((OPW,), jnp.int32),
            pltpu.VMEM((OPW,), jnp.int32),
            pltpu.VMEM((OPW,), jnp.int32),
            pltpu.VMEM((OPW,), jnp.int32),
            pltpu.VMEM((OPW,), jnp.int32),
            pltpu.VMEM((OPW,), jnp.int32),
            pltpu.VMEM((OPW,), jnp.int32),
            pltpu.VMEM((OPW,), jnp.int32),
            pltpu.VMEM((OPW,), jnp.float32),
            pltpu.VMEM((OPW,), jnp.float32),
            pltpu.VMEM((OPW,), jnp.float32),
            pltpu.VMEM((OPW,), jnp.float32),
            pltpu.SemaphoreType.DMA,
            pltpu.SemaphoreType.DMA,
        ],
        compiler_params=pltpu.CompilerParams(use_tc_tiling_on_sc=False),
    )
    ids_call = pl.kernel(
        _sc_ids,
        mesh=mesh,
        out_type=(flat,) * 2,
        scratch_types=[
            pltpu.VMEM((OPW,), jnp.int32),
            pltpu.VMEM((OPW,), jnp.int32),
            pltpu.VMEM((OPW,), jnp.int32),
            pltpu.VMEM((OPW,), jnp.int32),
            pltpu.VMEM((OPW,), jnp.int32),
            pltpu.VMEM((OPW,), jnp.int32),
            pltpu.VMEM((OPW,), jnp.float32),
            pltpu.VMEM((OPW,), jnp.float32),
            pltpu.SemaphoreType.DMA,
            pltpu.SemaphoreType.DMA,
        ],
        compiler_params=pltpu.CompilerParams(use_tc_tiling_on_sc=False),
    )
    pu_f, pi_f, nu_f, ni_f = tags_call(pos_o, neg_o, pos_s, neg_s, w_tu, w_ti)
    user_f, item_f = ids_call(usr_o, itm_o, usr_s, itm_s, w_u, w_i)

    user_x = user_f.reshape(B, D)
    item_x = item_f.reshape(B, D)
    pu = pu_f.reshape(B, D)
    pi = pi_f.reshape(B, D)
    nu = nu_f.reshape(B, D)
    ni = ni_f.reshape(B, D)

    logits = pl.pallas_call(
        _tc_logits,
        out_shape=jax.ShapeDtypeStruct((B,), jnp.float32),
        grid=(TC_GRID,),
        in_specs=[pl.BlockSpec((TC_BLK, D), lambda i: (i, 0))] * 6,
        out_specs=pl.BlockSpec((TC_BLK,), lambda i: (i,)),
    )(pu, pi, nu, ni, user_x, item_x)

    return (logits, user_x, item_x, pu, pi, nu, ni)

# --- scband reference (transcript-rebuilt; emitter-appended) ---
"""Pipeline reference for scband-attr-network-28956669509802 (READ-ONLY COPY).

The authoritative reference and input builder live on the scoring server;
editing this copy changes nothing except your own understanding.
"""

import jax, jax.numpy as jnp
import numpy as np

VOCAB = 1000000
USER_NUM = 1000000
ITEM_NUM = 1000000
D = 16
B = 16384


def setup_inputs(seed: int = 0) -> dict:
    key = jax.random.key(seed)
    ks = jax.random.split(key, 8)
    pos_tag_input = jax.random.randint(ks[0], (B,), 0, VOCAB, dtype=jnp.int64 if jax.config.jax_enable_x64 else jnp.int32)
    neg_tag_input = jax.random.randint(ks[1], (B,), 0, VOCAB, dtype=jnp.int64 if jax.config.jax_enable_x64 else jnp.int32)
    user_ids = jax.random.randint(ks[2], (B,), 0, USER_NUM, dtype=jnp.int64 if jax.config.jax_enable_x64 else jnp.int32)
    item_ids = jax.random.randint(ks[3], (B,), 0, ITEM_NUM, dtype=jnp.int64 if jax.config.jax_enable_x64 else jnp.int32)
    W_tag_user = 0.01 * jax.random.normal(ks[4], (VOCAB, D), dtype=jnp.float32)
    W_tag_item = 0.01 * jax.random.normal(ks[5], (VOCAB, D), dtype=jnp.float32)
    W_user = 0.01 * jax.random.normal(ks[6], (USER_NUM, D), dtype=jnp.float32)
    W_item = 0.01 * jax.random.normal(ks[7], (ITEM_NUM, D), dtype=jnp.float32)
    return {
        'pos_tag_input': pos_tag_input,
        'neg_tag_input': neg_tag_input,
        'user_ids': user_ids,
        'item_ids': item_ids,
        'W_tag_user': W_tag_user,
        'W_tag_item': W_tag_item,
        'W_user': W_user,
        'W_item': W_item,
    }


def reference(pos_tag_input, neg_tag_input, user_ids, item_ids, W_tag_user, W_tag_item, W_user, W_item):
    pos_user_tag_x = jnp.take(W_tag_user, pos_tag_input, axis=0)
    user_x = jnp.take(W_user, user_ids, axis=0)
    pos_user_tag_score = jnp.sum(pos_user_tag_x * user_x, axis=1)

    pos_item_tag_x = jnp.take(W_tag_item, pos_tag_input, axis=0)
    item_x = jnp.take(W_item, item_ids, axis=0)
    pos_item_tag_score = jnp.sum(pos_item_tag_x * item_x, axis=1)

    pos_tag_score = pos_user_tag_score + pos_item_tag_score

    neg_user_tag_x = jnp.take(W_tag_user, neg_tag_input, axis=0)
    neg_user_tag_score = jnp.sum(neg_user_tag_x * user_x, axis=1)

    neg_item_tag_x = jnp.take(W_tag_item, neg_tag_input, axis=0)
    neg_item_tag_score = jnp.sum(neg_item_tag_x * item_x, axis=1)

    neg_tag_score = neg_user_tag_score + neg_item_tag_score

    logits = pos_tag_score - neg_tag_score
    return (logits, user_x, item_x, pos_user_tag_x, pos_item_tag_x, neg_user_tag_x, neg_item_tag_x)

if __name__ == "__main__":
    import jax
    _d = setup_inputs()
    print(jax.jit(kernel)(*tuple(_d.values())))

</pallas_src>

<mosaic_0001>
#map = affine_map<(d0, d1) -> (0, 0)>
#map1 = affine_map<(d0, d1) -> (0)>
module attributes {stable_mosaic.version = 14 : i64} {
  func.func @_sc_tags(%arg0: i32, %arg1: i32, %arg2: memref<32x8192xi32, #tpu.memory_space<hbm>>, %arg3: memref<32x8192xi32, #tpu.memory_space<hbm>>, %arg4: memref<32x8192xi32, #tpu.memory_space<hbm>>, %arg5: memref<32x8192xi32, #tpu.memory_space<hbm>>, %arg6: memref<8126464xi32, #tpu.memory_space<hbm>>, %arg7: memref<8126464xi32, #tpu.memory_space<hbm>>, %arg8: memref<262144xf32, #tpu.memory_space<hbm>>, %arg9: memref<262144xf32, #tpu.memory_space<hbm>>, %arg10: memref<262144xf32, #tpu.memory_space<hbm>>, %arg11: memref<262144xf32, #tpu.memory_space<hbm>>, %arg12: memref<8192xi32, #tpu.memory_space<vmem>>, %arg13: memref<8192xi32, #tpu.memory_space<vmem>>, %arg14: memref<8192xi32, #tpu.memory_space<vmem>>, %arg15: memref<8192xi32, #tpu.memory_space<vmem>>, %arg16: memref<8192xi32, #tpu.memory_space<vmem>>, %arg17: memref<8192xi32, #tpu.memory_space<vmem>>, %arg18: memref<8192xi32, #tpu.memory_space<vmem>>, %arg19: memref<8192xi32, #tpu.memory_space<vmem>>, %arg20: memref<8192xf32, #tpu.memory_space<vmem>>, %arg21: memref<8192xf32, #tpu.memory_space<vmem>>, %arg22: memref<8192xf32, #tpu.memory_space<vmem>>, %arg23: memref<8192xf32, #tpu.memory_space<vmem>>, %arg24: memref<!tpu.dma_semaphore, #tpu.memory_space<semaphore_mem>>, %arg25: memref<!tpu.dma_semaphore, #tpu.memory_space<semaphore_mem>>) attributes {dimension_semantics = [#tpu.dimension_semantics<core_parallel>, #tpu.dimension_semantics<subcore_parallel>], iteration_bounds = array<i64: 2, 16>, scalar_prefetch = 0 : i64, scratch_operands = 14 : i64, tpu.core_type = #tpu.core_type<sc_vector_subcore>, window_params = [{transform_indices = #map}, {transform_indices = #map}, {transform_indices = #map}, {transform_indices = #map}, {transform_indices = #map1}, {transform_indices = #map1}, {transform_indices = #map1}, {transform_indices = #map1}, {transform_indices = #map1}, {transform_indices = #map1}]} {
    %mul3A = arith.constant 2 : i32
    %mul3A_0 = arith.muli %arg1, %mul3A : i32
    %add3A = arith.addi %mul3A_0, %arg0 : i32
    "tpu.region"() ({
      %run_scoped3A = tpu.sem_alloc : memref<!tpu.dma_semaphore, #tpu.memory_space<semaphore_mem>>
      %dma_start3A_38 = arith.constant 0 : i32
      %dma_start3A_39 = tpu.memref_slice %arg2[%add3A, %dma_start3A_38] : memref<32x8192xi32, #tpu.memory_space<hbm>> -> memref<1x8192xi32, #tpu.memory_space<hbm>>
      %dma_start3A_40 = tpu.memref_squeeze %dma_start3A_39 : memref<1x8192xi32, #tpu.memory_space<hbm>> -> memref<8192xi32, #tpu.memory_space<hbm>>
      %dma_start3A_41 = arith.constant 0 : i32
      %dma_start3A_42 = tpu.memref_slice %arg2[%add3A, %dma_start3A_41] : memref<32x8192xi32, #tpu.memory_space<hbm>> -> memref<1x8192xi32, #tpu.memory_space<hbm>>
      %dma_start3A_43 = tpu.memref_squeeze %dma_start3A_42 : memref<1x8192xi32, #tpu.memory_space<hbm>> -> memref<8192xi32, #tpu.memory_space<hbm>>
      tpu.enqueue_dma source(%dma_start3A_43 : memref<8192xi32, #tpu.memory_space<hbm>>) target(%arg12 : memref<8192xi32, #tpu.memory_space<vmem>>) target_semaphore(%run_scoped3A : memref<!tpu.dma_semaphore, #tpu.memory_space<semaphore_mem>>)
      %dma_wait3A_44 = arith.constant 0 : i32
      %dma_wait3A_45 = tpu.memref_slice %arg2[%add3A, %dma_wait3A_44] : memref<32x8192xi32, #tpu.memory_space<hbm>> -> memref<1x8192xi32, #tpu.memory_space<hbm>>
      %dma_wait3A_46 = tpu.memref_squeeze %dma_wait3A_45 : memref<1x8192xi32, #tpu.memory_space<hbm>> -> memref<8192xi32, #tpu.memory_space<hbm>>
      %dma_wait3A_47 = arith.constant 0 : i32
      %dma_wait3A_48 = tpu.memref_slice %arg2[%add3A, %dma_wait3A_47] : memref<32x8192xi32, #tpu.memory_space<hbm>> -> memref<1x8192xi32, #tpu.memory_space<hbm>>
      %dma_wait3A_49 = tpu.memref_squeeze %dma_wait3A_48 : memref<1x8192xi32, #tpu.memory_space<hbm>> -> memref<8192xi32, #tpu.memory_space<hbm>>
      tpu.wait_dma2 semaphore(%run_scoped3A : memref<!tpu.dma_semaphore, #tpu.memory_space<semaphore_mem>>) src(%dma_wait3A_49 : memref<8192xi32, #tpu.memory_space<hbm>>) dst(%arg12 : memref<8192xi32, #tpu.memory_space<vmem>>)
      tpu.yield
    }) : () -> ()
    "tpu.region"() ({
      %run_scoped3A = tpu.sem_alloc : memref<!tpu.dma_semaphore, #tpu.memory_space<semaphore_mem>>
      %dma_start3A_38 = arith.constant 0 : i32
      %dma_start3A_39 = tpu.memref_slice %arg3[%add3A, %dma_start3A_38] : memref<32x8192xi32, #tpu.memory_space<hbm>> -> memref<1x8192xi32, #tpu.memory_space<hbm>>
      %dma_start3A_40 = tpu.memref_squeeze %dma_start3A_39 : memref<1x8192xi32, #tpu.memory_space<hbm>> -> memref<8192xi32, #tpu.memory_space<hbm>>
      %dma_start3A_41 = arith.constant 0 : i32
      %dma_start3A_42 = tpu.memref_slice %arg3[%add3A, %dma_start3A_41] : memref<32x8192xi32, #tpu.memory_space<hbm>> -> memref<1x8192xi32, #tpu.memory_space<hbm>>
      %dma_start3A_43 = tpu.memref_squeeze %dma_start3A_42 : memref<1x8192xi32, #tpu.memory_space<hbm>> -> memref<8192xi32, #tpu.memory_space<hbm>>
      tpu.enqueue_dma source(%dma_start3A_43 : memref<8192xi32, #tpu.memory_space<hbm>>) target(%arg13 : memref<8192xi32, #tpu.memory_space<vmem>>) target_semaphore(%run_scoped3A : memref<!tpu.dma_semaphore, #tpu.memory_space<semaphore_mem>>)
      %dma_wait3A_44 = arith.constant 0 : i32
      %dma_wait3A_45 = tpu.memref_slice %arg3[%add3A, %dma_wait3A_44] : memref<32x8192xi32, #tpu.memory_space<hbm>> -> memref<1x8192xi32, #tpu.memory_space<hbm>>
      %dma_wait3A_46 = tpu.memref_squeeze %dma_wait3A_45 : memref<1x8192xi32, #tpu.memory_space<hbm>> -> memref<8192xi32, #tpu.memory_space<hbm>>
      %dma_wait3A_47 = arith.constant 0 : i32
      %dma_wait3A_48 = tpu.memref_slice %arg3[%add3A, %dma_wait3A_47] : memref<32x8192xi32, #tpu.memory_space<hbm>> -> memref<1x8192xi32, #tpu.memory_space<hbm>>
      %dma_wait3A_49 = tpu.memref_squeeze %dma_wait3A_48 : memref<1x8192xi32, #tpu.memory_space<hbm>> -> memref<8192xi32, #tpu.memory_space<hbm>>
      tpu.wait_dma2 semaphore(%run_scoped3A : memref<!tpu.dma_semaphore, #tpu.memory_space<semaphore_mem>>) src(%dma_wait3A_49 : memref<8192xi32, #tpu.memory_space<hbm>>) dst(%arg13 : memref<8192xi32, #tpu.memory_space<vmem>>)
      tpu.yield
    }) : () -> ()
    "tpu.region"() ({
      %run_scoped3A = tpu.sem_alloc : memref<!tpu.dma_semaphore, #tpu.memory_space<semaphore_mem>>
      %dma_start3A_38 = arith.constant 0 : i32
      %dma_start3A_39 = tpu.memref_slice %arg4[%add3A, %dma_start3A_38] : memref<32x8192xi32, #tpu.memory_space<hbm>> -> memref<1x8192xi32, #tpu.memory_space<hbm>>
      %dma_start3A_40 = tpu.memref_squeeze %dma_start3A_39 : memref<1x8192xi32, #tpu.memory_space<hbm>> -> memref<8192xi32, #tpu.memory_space<hbm>>
      %dma_start3A_41 = arith.constant 0 : i32
      %dma_start3A_42 = tpu.memref_slice %arg4[%add3A, %dma_start3A_41] : memref<32x8192xi32, #tpu.memory_space<hbm>> -> memref<1x8192xi32, #tpu.memory_space<hbm>>
      %dma_start3A_43 = tpu.memref_squeeze %dma_start3A_42 : memref<1x8192xi32, #tpu.memory_space<hbm>> -> memref<8192xi32, #tpu.memory_space<hbm>>
      tpu.enqueue_dma source(%dma_start3A_43 : memref<8192xi32, #tpu.memory_space<hbm>>) target(%arg14 : memref<8192xi32, #tpu.memory_space<vmem>>) target_semaphore(%run_scoped3A : memref<!tpu.dma_semaphore, #tpu.memory_space<semaphore_mem>>)
      %dma_wait3A_44 = arith.constant 0 : i32
      %dma_wait3A_45 = tpu.memref_slice %arg4[%add3A, %dma_wait3A_44] : memref<32x8192xi32, #tpu.memory_space<hbm>> -> memref<1x8192xi32, #tpu.memory_space<hbm>>
      %dma_wait3A_46 = tpu.memref_squeeze %dma_wait3A_45 : memref<1x8192xi32, #tpu.memory_space<hbm>> -> memref<8192xi32, #tpu.memory_space<hbm>>
      %dma_wait3A_47 = arith.constant 0 : i32
      %dma_wait3A_48 = tpu.memref_slice %arg4[%add3A, %dma_wait3A_47] : memref<32x8192xi32, #tpu.memory_space<hbm>> -> memref<1x8192xi32, #tpu.memory_space<hbm>>
      %dma_wait3A_49 = tpu.memref_squeeze %dma_wait3A_48 : memref<1x8192xi32, #tpu.memory_space<hbm>> -> memref<8192xi32, #tpu.memory_space<hbm>>
      tpu.wait_dma2 semaphore(%run_scoped3A : memref<!tpu.dma_semaphore, #tpu.memory_space<semaphore_mem>>) src(%dma_wait3A_49 : memref<8192xi32, #tpu.memory_space<hbm>>) dst(%arg14 : memref<8192xi32, #tpu.memory_space<vmem>>)
      tpu.yield
    }) : () -> ()
    "tpu.region"() ({
      %run_scoped3A = tpu.sem_alloc : memref<!tpu.dma_semaphore, #tpu.memory_space<semaphore_mem>>
      %dma_start3A_38 = arith.constant 0 : i32
      %dma_start3A_39 = tpu.memref_slice %arg5[%add3A, %dma_start3A_38] : memref<32x8192xi32, #tpu.memory_space<hbm>> -> memref<1x8192xi32, #tpu.memory_space<hbm>>
      %dma_start3A_40 = tpu.memref_squeeze %dma_start3A_39 : memref<1x8192xi32, #tpu.memory_space<hbm>> -> memref<8192xi32, #tpu.memory_space<hbm>>
      %dma_start3A_41 = arith.constant 0 : i32
      %dma_start3A_42 = tpu.memref_slice %arg5[%add3A, %dma_start3A_41] : memref<32x8192xi32, #tpu.memory_space<hbm>> -> memref<1x8192xi32, #tpu.memory_space<hbm>>
      %dma_start3A_43 = tpu.memref_squeeze %dma_start3A_42 : memref<1x8192xi32, #tpu.memory_space<hbm>> -> memref<8192xi32, #tpu.memory_space<hbm>>
      tpu.enqueue_dma source(%dma_start3A_43 : memref<8192xi32, #tpu.memory_space<hbm>>) target(%arg15 : memref<8192xi32, #tpu.memory_space<vmem>>) target_semaphore(%run_scoped3A : memref<!tpu.dma_semaphore, #tpu.memory_space<semaphore_mem>>)
      %dma_wait3A_44 = arith.constant 0 : i32
      %dma_wait3A_45 = tpu.memref_slice %arg5[%add3A, %dma_wait3A_44] : memref<32x8192xi32, #tpu.memory_space<hbm>> -> memref<1x8192xi32, #tpu.memory_space<hbm>>
      %dma_wait3A_46 = tpu.memref_squeeze %dma_wait3A_45 : memref<1x8192xi32, #tpu.memory_space<hbm>> -> memref<8192xi32, #tpu.memory_space<hbm>>
      %dma_wait3A_47 = arith.constant 0 : i32
      %dma_wait3A_48 = tpu.memref_slice %arg5[%add3A, %dma_wait3A_47] : memref<32x8192xi32, #tpu.memory_space<hbm>> -> memref<1x8192xi32, #tpu.memory_space<hbm>>
      %dma_wait3A_49 = tpu.memref_squeeze %dma_wait3A_48 : memref<1x8192xi32, #tpu.memory_space<hbm>> -> memref<8192xi32, #tpu.memory_space<hbm>>
      tpu.wait_dma2 semaphore(%run_scoped3A : memref<!tpu.dma_semaphore, #tpu.memory_space<semaphore_mem>>) src(%dma_wait3A_49 : memref<8192xi32, #tpu.memory_space<hbm>>) dst(%arg15 : memref<8192xi32, #tpu.memory_space<vmem>>)
      tpu.yield
    }) : () -> ()
    %dma_start3A = arith.constant 0 : i32
    %dma_start3A_1 = tpu.memref_slice %arg6[%dma_start3A] : memref<8126464xi32, #tpu.memory_space<hbm>> -> memref<8126464xi32, #tpu.memory_space<hbm>>
    tpu.enqueue_indirect_dma source(%dma_start3A_1 : memref<8126464xi32, #tpu.memory_space<hbm>>) target(%arg16 : memref<8192xi32, #tpu.memory_space<vmem>>) offsets(%arg12 : memref<8192xi32, #tpu.memory_space<vmem>>) semaphore(%arg24 : memref<!tpu.dma_semaphore, #tpu.memory_space<semaphore_mem>>)
    %dma_start3A_2 = arith.constant 0 : i32
    %dma_start3A_3 = tpu.memref_slice %arg7[%dma_start3A_2] : memref<8126464xi32, #tpu.memory_space<hbm>> -> memref<8126464xi32, #tpu.memory_space<hbm>>
    tpu.enqueue_indirect_dma source(%dma_start3A_3 : memref<8126464xi32, #tpu.memory_space<hbm>>) target(%arg17 : memref<8192xi32, #tpu.memory_space<vmem>>) offsets(%arg12 : memref<8192xi32, #tpu.memory_space<vmem>>) semaphore(%arg24 : memref<!tpu.dma_semaphore, #tpu.memory_space<semaphore_mem>>)
    %dma_start3A_4 = arith.constant 0 : i32
    %dma_start3A_5 = tpu.memref_slice %arg6[%dma_start3A_4] : memref<8126464xi32, #tpu.memory_space<hbm>> -> memref<8126464xi32, #tpu.memory_space<hbm>>
    tpu.enqueue_indirect_dma source(%dma_start3A_5 : memref<8126464xi32, #tpu.memory_space<hbm>>) target(%arg18 : memref<8192xi32, #tpu.memory_space<vmem>>) offsets(%arg13 : memref<8192xi32, #tpu.memory_space<vmem>>) semaphore(%arg24 : memref<!tpu.dma_semaphore, #tpu.memory_space<semaphore_mem>>)
    %dma_start3A_6 = arith.constant 0 : i32
    %dma_start3A_7 = tpu.memref_slice %arg7[%dma_start3A_6] : memref<8126464xi32, #tpu.memory_space<hbm>> -> memref<8126464xi32, #tpu.memory_space<hbm>>
    tpu.enqueue_indirect_dma source(%dma_start3A_7 : memref<8126464xi32, #tpu.memory_space<hbm>>) target(%arg19 : memref<8192xi32, #tpu.memory_space<vmem>>) offsets(%arg13 : memref<8192xi32, #tpu.memory_space<vmem>>) semaphore(%arg24 : memref<!tpu.dma_semaphore, #tpu.memory_space<semaphore_mem>>)
    %dma_wait3A = arith.constant 0 : i32
    %dma_wait3A_8 = tpu.memref_slice %arg6[%dma_wait3A] : memref<8126464xi32, #tpu.memory_space<hbm>> -> memref<8126464xi32, #tpu.memory_space<hbm>>
    tpu.wait_indirect_dma semaphore(%arg24 : memref<!tpu.dma_semaphore, #tpu.memory_space<semaphore_mem>>) src(%dma_wait3A_8 : memref<8126464xi32, #tpu.memory_space<hbm>>) dst(%arg16 : memref<8192xi32, #tpu.memory_space<vmem>>)
    %dma_wait3A_9 = arith.constant 0 : i32
    %dma_wait3A_10 = tpu.memref_slice %arg7[%dma_wait3A_9] : memref<8126464xi32, #tpu.memory_space<hbm>> -> memref<8126464xi32, #tpu.memory_space<hbm>>
    tpu.wait_indirect_dma semaphore(%arg24 : memref<!tpu.dma_semaphore, #tpu.memory_space<semaphore_mem>>) src(%dma_wait3A_10 : memref<8126464xi32, #tpu.memory_space<hbm>>) dst(%arg17 : memref<8192xi32, #tpu.memory_space<vmem>>)
    %dma_wait3A_11 = arith.constant 0 : i32
    %dma_wait3A_12 = tpu.memref_slice %arg6[%dma_wait3A_11] : memref<8126464xi32, #tpu.memory_space<hbm>> -> memref<8126464xi32, #tpu.memory_space<hbm>>
    tpu.wait_indirect_dma semaphore(%arg24 : memref<!tpu.dma_semaphore, #tpu.memory_space<semaphore_mem>>) src(%dma_wait3A_12 : memref<8126464xi32, #tpu.memory_space<hbm>>) dst(%arg18 : memref<8192xi32, #tpu.memory_space<vmem>>)
    %dma_wait3A_13 = arith.constant 0 : i32
    %dma_wait3A_14 = tpu.memref_slice %arg7[%dma_wait3A_13] : memref<8126464xi32, #tpu.memory_space<hbm>> -> memref<8126464xi32, #tpu.memory_space<hbm>>
    tpu.wait_indirect_dma semaphore(%arg24 : memref<!tpu.dma_semaphore, #tpu.memory_space<semaphore_mem>>) src(%dma_wait3A_14 : memref<8126464xi32, #tpu.memory_space<hbm>>) dst(%arg19 : memref<8192xi32, #tpu.memory_space<vmem>>)
    %scan3A = arith.constant 0 : i32
    %scan3A_15 = arith.constant 0 : i32
    %scan3A_16 = arith.constant 512 : i32
    %scan3A_17 = arith.addi %scan3A_15, %scan3A_16 : i32
    %scan3A_18 = arith.constant 1 : i32
    scf.for %scan3A_38 = %scan3A_15 to %scan3A_17 step %scan3A_18  : i32 {
      %mul3A_39 = arith.constant 16 : i32
      %mul3A_40 = arith.muli %scan3A_38, %mul3A_39 : i32
      %get3A = arith.index_cast %mul3A_40 : i32 to index
      %get3A_41 = tpu.vector_load %arg16[%get3A] {strides = array<i32>} : memref<8192xi32, #tpu.memory_space<vmem>>, vector<16xi32>,
      %get3A_42 = vector.shape_cast %get3A_41 : vector<16xi32> to vector<16xi32>
      %get3A_43 = arith.index_cast %mul3A_40 : i32 to index
      %get3A_44 = tpu.vector_load %arg14[%get3A_43] {strides = array<i32>} : memref<8192xi32, #tpu.memory_space<vmem>>, vector<16xi32>,
      %get3A_45 = vector.shape_cast %get3A_44 : vector<16xi32> to vector<16xi32>
      %shift_right_logical3A = arith.shrui %get3A_42, %get3A_45 : vector<16xi32>
      %shift_left3A = arith.constant 16 : i32
      %shift_left3A_46 = vector.broadcast %shift_left3A : i32 to vector<16xi32>
      %shift_left3A_47 = arith.shli %shift_right_logical3A, %shift_left3A_46 : vector<16xi32>
      %bitcast_convert_type3A = tpu.bitcast %shift_left3A_47 : vector<16xi32> -> vector<16xf32>
      %swap3A = arith.index_cast %mul3A_40 : i32 to index
      %swap3A_48 = tpu.vector_load %arg20[%swap3A] {strides = array<i32>} : memref<8192xf32, #tpu.memory_space<vmem>>, vector<16xf32>,
      %swap3A_49 = vector.shape_cast %swap3A_48 : vector<16xf32> to vector<16xf32>
      %swap3A_50 = vector.shape_cast %bitcast_convert_type3A : vector<16xf32> to vector<16xf32>
      tpu.vector_store %arg20[%swap3A], %swap3A_50 {strides = array<i32>} : memref<8192xf32, #tpu.memory_space<vmem>>, vector<16xf32>,
      %get3A_51 = arith.index_cast %mul3A_40 : i32 to index
      %get3A_52 = tpu.vector_load %arg17[%get3A_51] {strides = array<i32>} : memref<8192xi32, #tpu.memory_space<vmem>>, vector<16xi32>,
      %get3A_53 = vector.shape_cast %get3A_52 : vector<16xi32> to vector<16xi32>
      %get3A_54 = arith.index_cast %mul3A_40 : i32 to index
      %get3A_55 = tpu.vector_load %arg14[%get3A_54] {strides = array<i32>} : memref<8192xi32, #tpu.memory_space<vmem>>, vector<16xi32>,
      %get3A_56 = vector.shape_cast %get3A_55 : vector<16xi32> to vector<16xi32>
      %shift_right_logical3A_57 = arith.shrui %get3A_53, %get3A_56 : vector<16xi32>
      %shift_left3A_58 = arith.constant 16 : i32
      %shift_left3A_59 = vector.broadcast %shift_left3A_58 : i32 to vector<16xi32>
      %shift_left3A_60 = arith.shli %shift_right_logical3A_57, %shift_left3A_59 : vector<16xi32>
      %bitcast_convert_type3A_61 = tpu.bitcast %shift_left3A_60 : vector<16xi32> -> vector<16xf32>
      %swap3A_62 = arith.index_cast %mul3A_40 : i32 to index
      %swap3A_63 = tpu.vector_load %arg21[%swap3A_62] {strides = array<i32>} : memref<8192xf32, #tpu.memory_space<vmem>>, vector<16xf32>,
      %swap3A_64 = vector.shape_cast %swap3A_63 : vector<16xf32> to vector<16xf32>
      %swap3A_65 = vector.shape_cast %bitcast_convert_type3A_61 : vector<16xf32> to vector<16xf32>
      tpu.vector_store %arg21[%swap3A_62], %swap3A_65 {strides = array<i32>} : memref<8192xf32, #tpu.memory_space<vmem>>, vector<16xf32>,
      %get3A_66 = arith.index_cast %mul3A_40 : i32 to index
      %get3A_67 = tpu.vector_load %arg18[%get3A_66] {strides = array<i32>} : memref<8192xi32, #tpu.memory_space<vmem>>, vector<16xi32>,
      %get3A_68 = vector.shape_cast %get3A_67 : vector<16xi32> to vector<16xi32>
      %get3A_69 = arith.index_cast %mul3A_40 : i32 to index
      %get3A_70 = tpu.vector_load %arg15[%get3A_69] {strides = array<i32>} : memref<8192xi32, #tpu.memory_space<vmem>>, vector<16xi32>,
      %get3A_71 = vector.shape_cast %get3A_70 : vector<16xi32> to vector<16xi32>
      %shift_right_logical3A_72 = arith.shrui %get3A_68, %get3A_71 : vector<16xi32>
      %shift_left3A_73 = arith.constant 16 : i32
      %shift_left3A_74 = vector.broadcast %shift_left3A_73 : i32 to vector<16xi32>
      %shift_left3A_75 = arith.shli %shift_right_logical3A_72, %shift_left3A_74 : vector<16xi32>
      %bitcast_convert_type3A_76 = tpu.bitcast %shift_left3A_75 : vector<16xi32> -> vector<16xf32>
      %swap3A_77 = arith.index_cast %mul3A_40 : i32 to index
      %swap3A_78 = tpu.vector_load %arg22[%swap3A_77] {strides = array<i32>} : memref<8192xf32, #tpu.memory_space<vmem>>, vector<16xf32>,
      %swap3A_79 = vector.shape_cast %swap3A_78 : vector<16xf32> to vector<16xf32>
      %swap3A_80 = vector.shape_cast %bitcast_convert_type3A_76 : vector<16xf32> to vector<16xf32>
      tpu.vector_store %arg22[%swap3A_77], %swap3A_80 {strides = array<i32>} : memref<8192xf32, #tpu.memory_space<vmem>>, vector<16xf32>,
      %get3A_81 = arith.index_cast %mul3A_40 : i32 to index
      %get3A_82 = tpu.vector_load %arg19[%get3A_81] {strides = array<i32>} : memref<8192xi32, #tpu.memory_space<vmem>>, vector<16xi32>,
      %get3A_83 = vector.shape_cast %get3A_82 : vector<16xi32> to vector<16xi32>
      %get3A_84 = arith.index_cast %mul3A_40 : i32 to index
      %get3A_85 = tpu.vector_load %arg15[%get3A_84] {strides = array<i32>} : memref<8192xi32, #tpu.memory_space<vmem>>, vector<16xi32>,
      %get3A_86 = vector.shape_cast %get3A_85 : vector<16xi32> to vector<16xi32>
      %shift_right_logical3A_87 = arith.shrui %get3A_83, %get3A_86 : vector<16xi32>
      %shift_left3A_88 = arith.constant 16 : i32
      %shift_left3A_89 = vector.broadcast %shift_left3A_88 : i32 to vector<16xi32>
      %shift_left3A_90 = arith.shli %shift_right_logical3A_87, %shift_left3A_89 : vector<16xi32>
      %bitcast_convert_type3A_91 = tpu.bitcast %shift_left3A_90 : vector<16xi32> -> vector<16xf32>
      %swap3A_92 = arith.index_cast %mul3A_40 : i32 to index
      %swap3A_93 = tpu.vector_load %arg23[%swap3A_92] {strides = array<i32>} : memref<8192xf32, #tpu.memory_space<vmem>>, vector<16xf32>,
      %swap3A_94 = vector.shape_cast %swap3A_93 : vector<16xf32> to vector<16xf32>
      %swap3A_95 = vector.shape_cast %bitcast_convert_type3A_91 : vector<16xf32> to vector<16xf32>
      tpu.vector_store %arg23[%swap3A_92], %swap3A_95 {strides = array<i32>} : memref<8192xf32, #tpu.memory_space<vmem>>, vector<16xf32>,
    }
    %scan3A_19 = arith.constant 512 : i32
    %mul3A_20 = arith.constant 8192 : i32
    %mul3A_21 = arith.muli %add3A, %mul3A_20 : i32
    %dma_start3A_22 = tpu.memref_slice %arg8[%mul3A_21] : memref<262144xf32, #tpu.memory_space<hbm>> -> memref<8192xf32, #tpu.memory_space<hbm>>
    %dma_start3A_23 = tpu.memref_slice %arg8[%mul3A_21] : memref<262144xf32, #tpu.memory_space<hbm>> -> memref<8192xf32, #tpu.memory_space<hbm>>
    tpu.enqueue_dma source(%arg20 : memref<8192xf32, #tpu.memory_space<vmem>>) target(%dma_start3A_23 : memref<8192xf32, #tpu.memory_space<hbm>>) target_semaphore(%arg25 : memref<!tpu.dma_semaphore, #tpu.memory_space<semaphore_mem>>)
    %dma_start3A_24 = tpu.memref_slice %arg9[%mul3A_21] : memref<262144xf32, #tpu.memory_space<hbm>> -> memref<8192xf32, #tpu.memory_space<hbm>>
    %dma_start3A_25 = tpu.memref_slice %arg9[%mul3A_21] : memref<262144xf32, #tpu.memory_space<hbm>> -> memref<8192xf32, #tpu.memory_space<hbm>>
    tpu.enqueue_dma source(%arg21 : memref<8192xf32, #tpu.memory_space<vmem>>) target(%dma_start3A_25 : memref<8192xf32, #tpu.memory_space<hbm>>) target_semaphore(%arg25 : memref<!tpu.dma_semaphore, #tpu.memory_space<semaphore_mem>>)
    %dma_start3A_26 = tpu.memref_slice %arg10[%mul3A_21] : memref<262144xf32, #tpu.memory_space<hbm>> -> memref<8192xf32, #tpu.memory_space<hbm>>
    %dma_start3A_27 = tpu.memref_slice %arg10[%mul3A_21] : memref<262144xf32, #tpu.memory_space<hbm>> -> memref<8192xf32, #tpu.memory_space<hbm>>
    tpu.enqueue_dma source(%arg22 : memref<8192xf32, #tpu.memory_space<vmem>>) target(%dma_start3A_27 : memref<8192xf32, #tpu.memory_space<hbm>>) target_semaphore(%arg25 : memref<!tpu.dma_semaphore, #tpu.memory_space<semaphore_mem>>)
    %dma_start3A_28 = tpu.memref_slice %arg11[%mul3A_21] : memref<262144xf32, #tpu.memory_space<hbm>> -> memref<8192xf32, #tpu.memory_space<hbm>>
    %dma_start3A_29 = tpu.memref_slice %arg11[%mul3A_21] : memref<262144xf32, #tpu.memory_space<hbm>> -> memref<8192xf32, #tpu.memory_space<hbm>>
    tpu.enqueue_dma source(%arg23 : memref<8192xf32, #tpu.memory_space<vmem>>) target(%dma_start3A_29 : memref<8192xf32, #tpu.memory_space<hbm>>) target_semaphore(%arg25 : memref<!tpu.dma_semaphore, #tpu.memory_space<semaphore_mem>>)
    %dma_wait3A_30 = tpu.memref_slice %arg8[%mul3A_21] : memref<262144xf32, #tpu.memory_space<hbm>> -> memref<8192xf32, #tpu.memory_space<hbm>>
    %dma_wait3A_31 = tpu.memref_slice %arg8[%mul3A_21] : memref<262144xf32, #tpu.memory_space<hbm>> -> memref<8192xf32, #tpu.memory_space<hbm>>
    tpu.wait_dma2 semaphore(%arg25 : memref<!tpu.dma_semaphore, #tpu.memory_space<semaphore_mem>>) src(%arg20 : memref<8192xf32, #tpu.memory_space<vmem>>) dst(%dma_wait3A_31 : memref<8192xf32, #tpu.memory_space<hbm>>)
    %dma_wait3A_32 = tpu.memref_slice %arg9[%mul3A_21] : memref<262144xf32, #tpu.memory_space<hbm>> -> memref<8192xf32, #tpu.memory_space<hbm>>
    %dma_wait3A_33 = tpu.memref_slice %arg9[%mul3A_21] : memref<262144xf32, #tpu.memory_space<hbm>> -> memref<8192xf32, #tpu.memory_space<hbm>>
    tpu.wait_dma2 semaphore(%arg25 : memref<!tpu.dma_semaphore, #tpu.memory_space<semaphore_mem>>) src(%arg21 : memref<8192xf32, #tpu.memory_space<vmem>>) dst(%dma_wait3A_33 : memref<8192xf32, #tpu.memory_space<hbm>>)
    %dma_wait3A_34 = tpu.memref_slice %arg10[%mul3A_21] : memref<262144xf32, #tpu.memory_space<hbm>> -> memref<8192xf32, #tpu.memory_space<hbm>>
    %dma_wait3A_35 = tpu.memref_slice %arg10[%mul3A_21] : memref<262144xf32, #tpu.memory_space<hbm>> -> memref<8192xf32, #tpu.memory_space<hbm>>
    tpu.wait_dma2 semaphore(%arg25 : memref<!tpu.dma_semaphore, #tpu.memory_space<semaphore_mem>>) src(%arg22 : memref<8192xf32, #tpu.memory_space<vmem>>) dst(%dma_wait3A_35 : memref<8192xf32, #tpu.memory_space<hbm>>)
    %dma_wait3A_36 = tpu.memref_slice %arg11[%mul3A_21] : memref<262144xf32, #tpu.memory_space<hbm>> -> memref<8192xf32, #tpu.memory_space<hbm>>
    %dma_wait3A_37 = tpu.memref_slice %arg11[%mul3A_21] : memref<262144xf32, #tpu.memory_space<hbm>> -> memref<8192xf32, #tpu.memory_space<hbm>>
    tpu.wait_dma2 semaphore(%arg25 : memref<!tpu.dma_semaphore, #tpu.memory_space<semaphore_mem>>) src(%arg23 : memref<8192xf32, #tpu.memory_space<vmem>>) dst(%dma_wait3A_37 : memref<8192xf32, #tpu.memory_space<hbm>>)
    return
  }
}

#map = affine_map<(d0, d1) -> (0, 0)>
#map1 = affine_map<(d0, d1) -> (0)>
module attributes {stable_mosaic.version = 14 : i64} {
  func.func @_sc_ids(%arg0: i32, %arg1: i32, %arg2: memref<32x8192xi32, #tpu.memory_space<hbm>>, %arg3: memref<32x8192xi32, #tpu.memory_space<hbm>>, %arg4: memref<32x8192xi32, #tpu.memory_space<hbm>>, %arg5: memref<32x8192xi32, #tpu.memory_space<hbm>>, %arg6: memref<8126464xi32, #tpu.memory_space<hbm>>, %arg7: memref<8126464xi32, #tpu.memory_space<hbm>>, %arg8: memref<262144xf32, #tpu.memory_space<hbm>>, %arg9: memref<262144xf32, #tpu.memory_space<hbm>>, %arg10: memref<8192xi32, #tpu.memory_space<vmem>>, %arg11: memref<8192xi32, #tpu.memory_space<vmem>>, %arg12: memref<8192xi32, #tpu.memory_space<vmem>>, %arg13: memref<8192xi32, #tpu.memory_space<vmem>>, %arg14: memref<8192xi32, #tpu.memory_space<vmem>>, %arg15: memref<8192xi32, #tpu.memory_space<vmem>>, %arg16: memref<8192xf32, #tpu.memory_space<vmem>>, %arg17: memref<8192xf32, #tpu.memory_space<vmem>>, %arg18: memref<!tpu.dma_semaphore, #tpu.memory_space<semaphore_mem>>, %arg19: memref<!tpu.dma_semaphore, #tpu.memory_space<semaphore_mem>>) attributes {dimension_semantics = [#tpu.dimension_semantics<core_parallel>, #tpu.dimension_semantics<subcore_parallel>], iteration_bounds = array<i64: 2, 16>, scalar_prefetch = 0 : i64, scratch_operands = 10 : i64, tpu.core_type = #tpu.core_type<sc_vector_subcore>, window_params = [{transform_indices = #map}, {transform_indices = #map}, {transform_indices = #map}, {transform_indices = #map}, {transform_indices = #map1}, {transform_indices = #map1}, {transform_indices = #map1}, {transform_indices = #map1}]} {
    %mul3A = arith.constant 2 : i32
    %mul3A_0 = arith.muli %arg1, %mul3A : i32
    %add3A = arith.addi %mul3A_0, %arg0 : i32
    "tpu.region"() ({
      %run_scoped3A = tpu.sem_alloc : memref<!tpu.dma_semaphore, #tpu.memory_space<semaphore_mem>>
      %dma_start3A_22 = arith.constant 0 : i32
      %dma_start3A_23 = tpu.memref_slice %arg2[%add3A, %dma_start3A_22] : memref<32x8192xi32, #tpu.memory_space<hbm>> -> memref<1x8192xi32, #tpu.memory_space<hbm>>
      %dma_start3A_24 = tpu.memref_squeeze %dma_start3A_23 : memref<1x8192xi32, #tpu.memory_space<hbm>> -> memref<8192xi32, #tpu.memory_space<hbm>>
      %dma_start3A_25 = arith.constant 0 : i32
      %dma_start3A_26 = tpu.memref_slice %arg2[%add3A, %dma_start3A_25] : memref<32x8192xi32, #tpu.memory_space<hbm>> -> memref<1x8192xi32, #tpu.memory_space<hbm>>
      %dma_start3A_27 = tpu.memref_squeeze %dma_start3A_26 : memref<1x8192xi32, #tpu.memory_space<hbm>> -> memref<8192xi32, #tpu.memory_space<hbm>>
      tpu.enqueue_dma source(%dma_start3A_27 : memref<8192xi32, #tpu.memory_space<hbm>>) target(%arg10 : memref<8192xi32, #tpu.memory_space<vmem>>) target_semaphore(%run_scoped3A : memref<!tpu.dma_semaphore, #tpu.memory_space<semaphore_mem>>)
      %dma_wait3A_28 = arith.constant 0 : i32
      %dma_wait3A_29 = tpu.memref_slice %arg2[%add3A, %dma_wait3A_28] : memref<32x8192xi32, #tpu.memory_space<hbm>> -> memref<1x8192xi32, #tpu.memory_space<hbm>>
      %dma_wait3A_30 = tpu.memref_squeeze %dma_wait3A_29 : memref<1x8192xi32, #tpu.memory_space<hbm>> -> memref<8192xi32, #tpu.memory_space<hbm>>
      %dma_wait3A_31 = arith.constant 0 : i32
      %dma_wait3A_32 = tpu.memref_slice %arg2[%add3A, %dma_wait3A_31] : memref<32x8192xi32, #tpu.memory_space<hbm>> -> memref<1x8192xi32, #tpu.memory_space<hbm>>
      %dma_wait3A_33 = tpu.memref_squeeze %dma_wait3A_32 : memref<1x8192xi32, #tpu.memory_space<hbm>> -> memref<8192xi32, #tpu.memory_space<hbm>>
      tpu.wait_dma2 semaphore(%run_scoped3A : memref<!tpu.dma_semaphore, #tpu.memory_space<semaphore_mem>>) src(%dma_wait3A_33 : memref<8192xi32, #tpu.memory_space<hbm>>) dst(%arg10 : memref<8192xi32, #tpu.memory_space<vmem>>)
      tpu.yield
    }) : () -> ()
    "tpu.region"() ({
      %run_scoped3A = tpu.sem_alloc : memref<!tpu.dma_semaphore, #tpu.memory_space<semaphore_mem>>
      %dma_start3A_22 = arith.constant 0 : i32
      %dma_start3A_23 = tpu.memref_slice %arg3[%add3A, %dma_start3A_22] : memref<32x8192xi32, #tpu.memory_space<hbm>> -> memref<1x8192xi32, #tpu.memory_space<hbm>>
      %dma_start3A_24 = tpu.memref_squeeze %dma_start3A_23 : memref<1x8192xi32, #tpu.memory_space<hbm>> -> memref<8192xi32, #tpu.memory_space<hbm>>
      %dma_start3A_25 = arith.constant 0 : i32
      %dma_start3A_26 = tpu.memref_slice %arg3[%add3A, %dma_start3A_25] : memref<32x8192xi32, #tpu.memory_space<hbm>> -> memref<1x8192xi32, #tpu.memory_space<hbm>>
      %dma_start3A_27 = tpu.memref_squeeze %dma_start3A_26 : memref<1x8192xi32, #tpu.memory_space<hbm>> -> memref<8192xi32, #tpu.memory_space<hbm>>
      tpu.enqueue_dma source(%dma_start3A_27 : memref<8192xi32, #tpu.memory_space<hbm>>) target(%arg11 : memref<8192xi32, #tpu.memory_space<vmem>>) target_semaphore(%run_scoped3A : memref<!tpu.dma_semaphore, #tpu.memory_space<semaphore_mem>>)
      %dma_wait3A_28 = arith.constant 0 : i32
      %dma_wait3A_29 = tpu.memref_slice %arg3[%add3A, %dma_wait3A_28] : memref<32x8192xi32, #tpu.memory_space<hbm>> -> memref<1x8192xi32, #tpu.memory_space<hbm>>
      %dma_wait3A_30 = tpu.memref_squeeze %dma_wait3A_29 : memref<1x8192xi32, #tpu.memory_space<hbm>> -> memref<8192xi32, #tpu.memory_space<hbm>>
      %dma_wait3A_31 = arith.constant 0 : i32
      %dma_wait3A_32 = tpu.memref_slice %arg3[%add3A, %dma_wait3A_31] : memref<32x8192xi32, #tpu.memory_space<hbm>> -> memref<1x8192xi32, #tpu.memory_space<hbm>>
      %dma_wait3A_33 = tpu.memref_squeeze %dma_wait3A_32 : memref<1x8192xi32, #tpu.memory_space<hbm>> -> memref<8192xi32, #tpu.memory_space<hbm>>
      tpu.wait_dma2 semaphore(%run_scoped3A : memref<!tpu.dma_semaphore, #tpu.memory_space<semaphore_mem>>) src(%dma_wait3A_33 : memref<8192xi32, #tpu.memory_space<hbm>>) dst(%arg11 : memref<8192xi32, #tpu.memory_space<vmem>>)
      tpu.yield
    }) : () -> ()
    "tpu.region"() ({
      %run_scoped3A = tpu.sem_alloc : memref<!tpu.dma_semaphore, #tpu.memory_space<semaphore_mem>>
      %dma_start3A_22 = arith.constant 0 : i32
      %dma_start3A_23 = tpu.memref_slice %arg4[%add3A, %dma_start3A_22] : memref<32x8192xi32, #tpu.memory_space<hbm>> -> memref<1x8192xi32, #tpu.memory_space<hbm>>
      %dma_start3A_24 = tpu.memref_squeeze %dma_start3A_23 : memref<1x8192xi32, #tpu.memory_space<hbm>> -> memref<8192xi32, #tpu.memory_space<hbm>>
      %dma_start3A_25 = arith.constant 0 : i32
      %dma_start3A_26 = tpu.memref_slice %arg4[%add3A, %dma_start3A_25] : memref<32x8192xi32, #tpu.memory_space<hbm>> -> memref<1x8192xi32, #tpu.memory_space<hbm>>
      %dma_start3A_27 = tpu.memref_squeeze %dma_start3A_26 : memref<1x8192xi32, #tpu.memory_space<hbm>> -> memref<8192xi32, #tpu.memory_space<hbm>>
      tpu.enqueue_dma source(%dma_start3A_27 : memref<8192xi32, #tpu.memory_space<hbm>>) target(%arg12 : memref<8192xi32, #tpu.memory_space<vmem>>) target_semaphore(%run_scoped3A : memref<!tpu.dma_semaphore, #tpu.memory_space<semaphore_mem>>)
      %dma_wait3A_28 = arith.constant 0 : i32
      %dma_wait3A_29 = tpu.memref_slice %arg4[%add3A, %dma_wait3A_28] : memref<32x8192xi32, #tpu.memory_space<hbm>> -> memref<1x8192xi32, #tpu.memory_space<hbm>>
      %dma_wait3A_30 = tpu.memref_squeeze %dma_wait3A_29 : memref<1x8192xi32, #tpu.memory_space<hbm>> -> memref<8192xi32, #tpu.memory_space<hbm>>
      %dma_wait3A_31 = arith.constant 0 : i32
      %dma_wait3A_32 = tpu.memref_slice %arg4[%add3A, %dma_wait3A_31] : memref<32x8192xi32, #tpu.memory_space<hbm>> -> memref<1x8192xi32, #tpu.memory_space<hbm>>
      %dma_wait3A_33 = tpu.memref_squeeze %dma_wait3A_32 : memref<1x8192xi32, #tpu.memory_space<hbm>> -> memref<8192xi32, #tpu.memory_space<hbm>>
      tpu.wait_dma2 semaphore(%run_scoped3A : memref<!tpu.dma_semaphore, #tpu.memory_space<semaphore_mem>>) src(%dma_wait3A_33 : memref<8192xi32, #tpu.memory_space<hbm>>) dst(%arg12 : memref<8192xi32, #tpu.memory_space<vmem>>)
      tpu.yield
    }) : () -> ()
    "tpu.region"() ({
      %run_scoped3A = tpu.sem_alloc : memref<!tpu.dma_semaphore, #tpu.memory_space<semaphore_mem>>
      %dma_start3A_22 = arith.constant 0 : i32
      %dma_start3A_23 = tpu.memref_slice %arg5[%add3A, %dma_start3A_22] : memref<32x8192xi32, #tpu.memory_space<hbm>> -> memref<1x8192xi32, #tpu.memory_space<hbm>>
      %dma_start3A_24 = tpu.memref_squeeze %dma_start3A_23 : memref<1x8192xi32, #tpu.memory_space<hbm>> -> memref<8192xi32, #tpu.memory_space<hbm>>
      %dma_start3A_25 = arith.constant 0 : i32
      %dma_start3A_26 = tpu.memref_slice %arg5[%add3A, %dma_start3A_25] : memref<32x8192xi32, #tpu.memory_space<hbm>> -> memref<1x8192xi32, #tpu.memory_space<hbm>>
      %dma_start3A_27 = tpu.memref_squeeze %dma_start3A_26 : memref<1x8192xi32, #tpu.memory_space<hbm>> -> memref<8192xi32, #tpu.memory_space<hbm>>
      tpu.enqueue_dma source(%dma_start3A_27 : memref<8192xi32, #tpu.memory_space<hbm>>) target(%arg13 : memref<8192xi32, #tpu.memory_space<vmem>>) target_semaphore(%run_scoped3A : memref<!tpu.dma_semaphore, #tpu.memory_space<semaphore_mem>>)
      %dma_wait3A_28 = arith.constant 0 : i32
      %dma_wait3A_29 = tpu.memref_slice %arg5[%add3A, %dma_wait3A_28] : memref<32x8192xi32, #tpu.memory_space<hbm>> -> memref<1x8192xi32, #tpu.memory_space<hbm>>
      %dma_wait3A_30 = tpu.memref_squeeze %dma_wait3A_29 : memref<1x8192xi32, #tpu.memory_space<hbm>> -> memref<8192xi32, #tpu.memory_space<hbm>>
      %dma_wait3A_31 = arith.constant 0 : i32
      %dma_wait3A_32 = tpu.memref_slice %arg5[%add3A, %dma_wait3A_31] : memref<32x8192xi32, #tpu.memory_space<hbm>> -> memref<1x8192xi32, #tpu.memory_space<hbm>>
      %dma_wait3A_33 = tpu.memref_squeeze %dma_wait3A_32 : memref<1x8192xi32, #tpu.memory_space<hbm>> -> memref<8192xi32, #tpu.memory_space<hbm>>
      tpu.wait_dma2 semaphore(%run_scoped3A : memref<!tpu.dma_semaphore, #tpu.memory_space<semaphore_mem>>) src(%dma_wait3A_33 : memref<8192xi32, #tpu.memory_space<hbm>>) dst(%arg13 : memref<8192xi32, #tpu.memory_space<vmem>>)
      tpu.yield
    }) : () -> ()
    %dma_start3A = arith.constant 0 : i32
    %dma_start3A_1 = tpu.memref_slice %arg6[%dma_start3A] : memref<8126464xi32, #tpu.memory_space<hbm>> -> memref<8126464xi32, #tpu.memory_space<hbm>>
    tpu.enqueue_indirect_dma source(%dma_start3A_1 : memref<8126464xi32, #tpu.memory_space<hbm>>) target(%arg14 : memref<8192xi32, #tpu.memory_space<vmem>>) offsets(%arg10 : memref<8192xi32, #tpu.memory_space<vmem>>) semaphore(%arg18 : memref<!tpu.dma_semaphore, #tpu.memory_space<semaphore_mem>>)
    %dma_start3A_2 = arith.constant 0 : i32
    %dma_start3A_3 = tpu.memref_slice %arg7[%dma_start3A_2] : memref<8126464xi32, #tpu.memory_space<hbm>> -> memref<8126464xi32, #tpu.memory_space<hbm>>
    tpu.enqueue_indirect_dma source(%dma_start3A_3 : memref<8126464xi32, #tpu.memory_space<hbm>>) target(%arg15 : memref<8192xi32, #tpu.memory_space<vmem>>) offsets(%arg11 : memref<8192xi32, #tpu.memory_space<vmem>>) semaphore(%arg18 : memref<!tpu.dma_semaphore, #tpu.memory_space<semaphore_mem>>)
    %dma_wait3A = arith.constant 0 : i32
    %dma_wait3A_4 = tpu.memref_slice %arg6[%dma_wait3A] : memref<8126464xi32, #tpu.memory_space<hbm>> -> memref<8126464xi32, #tpu.memory_space<hbm>>
    tpu.wait_indirect_dma semaphore(%arg18 : memref<!tpu.dma_semaphore, #tpu.memory_space<semaphore_mem>>) src(%dma_wait3A_4 : memref<8126464xi32, #tpu.memory_space<hbm>>) dst(%arg14 : memref<8192xi32, #tpu.memory_space<vmem>>)
    %dma_wait3A_5 = arith.constant 0 : i32
    %dma_wait3A_6 = tpu.memref_slice %arg7[%dma_wait3A_5] : memref<8126464xi32, #tpu.memory_space<hbm>> -> memref<8126464xi32, #tpu.memory_space<hbm>>
    tpu.wait_indirect_dma semaphore(%arg18 : memref<!tpu.dma_semaphore, #tpu.memory_space<semaphore_mem>>) src(%dma_wait3A_6 : memref<8126464xi32, #tpu.memory_space<hbm>>) dst(%arg15 : memref<8192xi32, #tpu.memory_space<vmem>>)
    %scan3A = arith.constant 0 : i32
    %scan3A_7 = arith.constant 0 : i32
    %scan3A_8 = arith.constant 512 : i32
    %scan3A_9 = arith.addi %scan3A_7, %scan3A_8 : i32
    %scan3A_10 = arith.constant 1 : i32
    scf.for %scan3A_22 = %scan3A_7 to %scan3A_9 step %scan3A_10  : i32 {
      %mul3A_23 = arith.constant 16 : i32
      %mul3A_24 = arith.muli %scan3A_22, %mul3A_23 : i32
      %get3A = arith.index_cast %mul3A_24 : i32 to index
      %get3A_25 = tpu.vector_load %arg14[%get3A] {strides = array<i32>} : memref<8192xi32, #tpu.memory_space<vmem>>, vector<16xi32>,
      %get3A_26 = vector.shape_cast %get3A_25 : vector<16xi32> to vector<16xi32>
      %get3A_27 = arith.index_cast %mul3A_24 : i32 to index
      %get3A_28 = tpu.vector_load %arg12[%get3A_27] {strides = array<i32>} : memref<8192xi32, #tpu.memory_space<vmem>>, vector<16xi32>,
      %get3A_29 = vector.shape_cast %get3A_28 : vector<16xi32> to vector<16xi32>
      %shift_right_logical3A = arith.shrui %get3A_26, %get3A_29 : vector<16xi32>
      %shift_left3A = arith.constant 16 : i32
      %shift_left3A_30 = vector.broadcast %shift_left3A : i32 to vector<16xi32>
      %shift_left3A_31 = arith.shli %shift_right_logical3A, %shift_left3A_30 : vector<16xi32>
      %bitcast_convert_type3A = tpu.bitcast %shift_left3A_31 : vector<16xi32> -> vector<16xf32>
      %swap3A = arith.index_cast %mul3A_24 : i32 to index
      %swap3A_32 = tpu.vector_load %arg16[%swap3A] {strides = array<i32>} : memref<8192xf32, #tpu.memory_space<vmem>>, vector<16xf32>,
      %swap3A_33 = vector.shape_cast %swap3A_32 : vector<16xf32> to vector<16xf32>
      %swap3A_34 = vector.shape_cast %bitcast_convert_type3A : vector<16xf32> to vector<16xf32>
      tpu.vector_store %arg16[%swap3A], %swap3A_34 {strides = array<i32>} : memref<8192xf32, #tpu.memory_space<vmem>>, vector<16xf32>,
      %get3A_35 = arith.index_cast %mul3A_24 : i32 to index
      %get3A_36 = tpu.vector_load %arg15[%get3A_35] {strides = array<i32>} : memref<8192xi32, #tpu.memory_space<vmem>>, vector<16xi32>,
      %get3A_37 = vector.shape_cast %get3A_36 : vector<16xi32> to vector<16xi32>
      %get3A_38 = arith.index_cast %mul3A_24 : i32 to index
      %get3A_39 = tpu.vector_load %arg13[%get3A_38] {strides = array<i32>} : memref<8192xi32, #tpu.memory_space<vmem>>, vector<16xi32>,
      %get3A_40 = vector.shape_cast %get3A_39 : vector<16xi32> to vector<16xi32>
      %shift_right_logical3A_41 = arith.shrui %get3A_37, %get3A_40 : vector<16xi32>
      %shift_left3A_42 = arith.constant 16 : i32
      %shift_left3A_43 = vector.broadcast %shift_left3A_42 : i32 to vector<16xi32>
      %shift_left3A_44 = arith.shli %shift_right_logical3A_41, %shift_left3A_43 : vector<16xi32>
      %bitcast_convert_type3A_45 = tpu.bitcast %shift_left3A_44 : vector<16xi32> -> vector<16xf32>
      %swap3A_46 = arith.index_cast %mul3A_24 : i32 to index
      %swap3A_47 = tpu.vector_load %arg17[%swap3A_46] {strides = array<i32>} : memref<8192xf32, #tpu.memory_space<vmem>>, vector<16xf32>,
      %swap3A_48 = vector.shape_cast %swap3A_47 : vector<16xf32> to vector<16xf32>
      %swap3A_49 = vector.shape_cast %bitcast_convert_type3A_45 : vector<16xf32> to vector<16xf32>
      tpu.vector_store %arg17[%swap3A_46], %swap3A_49 {strides = array<i32>} : memref<8192xf32, #tpu.memory_space<vmem>>, vector<16xf32>,
    }
    %scan3A_11 = arith.constant 512 : i32
    %mul3A_12 = arith.constant 8192 : i32
    %mul3A_13 = arith.muli %add3A, %mul3A_12 : i32
    %dma_start3A_14 = tpu.memref_slice %arg8[%mul3A_13] : memref<262144xf32, #tpu.memory_space<hbm>> -> memref<8192xf32, #tpu.memory_space<hbm>>
    %dma_start3A_15 = tpu.memref_slice %arg8[%mul3A_13] : memref<262144xf32, #tpu.memory_space<hbm>> -> memref<8192xf32, #tpu.memory_space<hbm>>
    tpu.enqueue_dma source(%arg16 : memref<8192xf32, #tpu.memory_space<vmem>>) target(%dma_start3A_15 : memref<8192xf32, #tpu.memory_space<hbm>>) target_semaphore(%arg19 : memref<!tpu.dma_semaphore, #tpu.memory_space<semaphore_mem>>)
    %dma_start3A_16 = tpu.memref_slice %arg9[%mul3A_13] : memref<262144xf32, #tpu.memory_space<hbm>> -> memref<8192xf32, #tpu.memory_space<hbm>>
    %dma_start3A_17 = tpu.memref_slice %arg9[%mul3A_13] : memref<262144xf32, #tpu.memory_space<hbm>> -> memref<8192xf32, #tpu.memory_space<hbm>>
    tpu.enqueue_dma source(%arg17 : memref<8192xf32, #tpu.memory_space<vmem>>) target(%dma_start3A_17 : memref<8192xf32, #tpu.memory_space<hbm>>) target_semaphore(%arg19 : memref<!tpu.dma_semaphore, #tpu.memory_space<semaphore_mem>>)
    %dma_wait3A_18 = tpu.memref_slice %arg8[%mul3A_13] : memref<262144xf32, #tpu.memory_space<hbm>> -> memref<8192xf32, #tpu.memory_space<hbm>>
    %dma_wait3A_19 = tpu.memref_slice %arg8[%mul3A_13] : memref<262144xf32, #tpu.memory_space<hbm>> -> memref<8192xf32, #tpu.memory_space<hbm>>
    tpu.wait_dma2 semaphore(%arg19 : memref<!tpu.dma_semaphore, #tpu.memory_space<semaphore_mem>>) src(%arg16 : memref<8192xf32, #tpu.memory_space<vmem>>) dst(%dma_wait3A_19 : memref<8192xf32, #tpu.memory_space<hbm>>)
    %dma_wait3A_20 = tpu.memref_slice %arg9[%mul3A_13] : memref<262144xf32, #tpu.memory_space<hbm>> -> memref<8192xf32, #tpu.memory_space<hbm>>
    %dma_wait3A_21 = tpu.memref_slice %arg9[%mul3A_13] : memref<262144xf32, #tpu.memory_space<hbm>> -> memref<8192xf32, #tpu.memory_space<hbm>>
    tpu.wait_dma2 semaphore(%arg19 : memref<!tpu.dma_semaphore, #tpu.memory_space<semaphore_mem>>) src(%arg17 : memref<8192xf32, #tpu.memory_space<vmem>>) dst(%dma_wait3A_21 : memref<8192xf32, #tpu.memory_space<hbm>>)
    return
  }
}

module attributes {stable_mosaic.version = 14 : i64} {
  func.func @_tc_detile(%arg0: i32, %arg1: memref<16x16384xf32, #tpu.memory_space<vmem>>, %arg2: memref<131072xi32, #tpu.memory_space<vmem>>) attributes {dimension_semantics = [#tpu.dimension_semantics<arbitrary>], iteration_bounds = array<i64: 62>, scalar_prefetch = 0 : i64, scratch_operands = 0 : i64, tpu.core_type = #tpu.core_type<tc>, window_params = [{transform_indices = @transform_0, window_bounds = array<i64: 16, 16384>}, {transform_indices = @transform_1, window_bounds = array<i64: 131072>}]} {
    %get3A = arith.constant 0 : index
    %get3A_0 = arith.constant 0 : index
    %get3A_1 = vector.load %arg1[%get3A, %get3A_0] : memref<16x16384xf32, #tpu.memory_space<vmem>>, vector<16x16384xf32>
    %bitcast_convert_type3A = tpu.bitcast %get3A_1 : vector<16x16384xf32> -> vector<16x16384xi32>
    %add3A = arith.constant 32768 : i32
    %add3A_2 = vector.broadcast %add3A : i32 to vector<16x16384xi32>
    %add3A_3 = arith.addi %bitcast_convert_type3A, %add3A_2 : vector<16x16384xi32>
    %slice3A = vector.extract_strided_slice %add3A_3 {offsets = [0, 0], sizes = [16, 8192], strides = [1, 1]} : vector<16x16384xi32> to vector<16x8192xi32>
    %slice3A_4 = vector.extract_strided_slice %add3A_3 {offsets = [0, 8192], sizes = [16, 8192], strides = [1, 1]} : vector<16x16384xi32> to vector<16x8192xi32>
    %shift_right_logical3A = arith.constant 16 : i32
    %shift_right_logical3A_5 = vector.broadcast %shift_right_logical3A : i32 to vector<16x8192xi32>
    %shift_right_logical3A_6 = arith.shrui %slice3A, %shift_right_logical3A_5 : vector<16x8192xi32>
    %and3A = arith.constant -65536 : i32
    %and3A_7 = vector.broadcast %and3A : i32 to vector<16x8192xi32>
    %and3A_8 = arith.andi %slice3A_4, %and3A_7 : vector<16x8192xi32>
    %or3A = arith.ori %shift_right_logical3A_6, %and3A_8 : vector<16x8192xi32>
    %reshape3A = vector.shape_cast %or3A : vector<16x8192xi32> to vector<131072xi32>
    %swap3A = arith.constant 0 : index
    %swap3A_9 = vector.load %arg2[%swap3A] : memref<131072xi32, #tpu.memory_space<vmem>>, vector<131072xi32>
    tpu.vector_store %arg2[%swap3A], %reshape3A {strides = array<i32>} : memref<131072xi32, #tpu.memory_space<vmem>>, vector<131072xi32>,
    return
  }
  func.func @transform_0(%arg0: i32) -> (i32, i32) {
    %c0_i32 = arith.constant 0 : i32
    %c0_i32_0 = arith.constant 0 : i32
    return %c0_i32, %arg0 : i32, i32
  }
  func.func @transform_1(%arg0: i32) -> i32 {
    %c0_i32 = arith.constant 0 : i32
    return %arg0 : i32
  }
}

module attributes {stable_mosaic.version = 14 : i64} {
  func.func @_tc_logits(%arg0: i32, %arg1: memref<2048x16xf32, #tpu.memory_space<vmem>>, %arg2: memref<2048x16xf32, #tpu.memory_space<vmem>>, %arg3: memref<2048x16xf32, #tpu.memory_space<vmem>>, %arg4: memref<2048x16xf32, #tpu.memory_space<vmem>>, %arg5: memref<2048x16xf32, #tpu.memory_space<vmem>>, %arg6: memref<2048x16xf32, #tpu.memory_space<vmem>>, %arg7: memref<2048xf32, #tpu.memory_space<vmem>>) attributes {dimension_semantics = [#tpu.dimension_semantics<arbitrary>], iteration_bounds = array<i64: 8>, scalar_prefetch = 0 : i64, scratch_operands = 0 : i64, tpu.core_type = #tpu.core_type<tc>, window_params = [{transform_indices = @transform_0, window_bounds = array<i64: 2048, 16>}, {transform_indices = @transform_1, window_bounds = array<i64: 2048, 16>}, {transform_indices = @transform_2, window_bounds = array<i64: 2048, 16>}, {transform_indices = @transform_3, window_bounds = array<i64: 2048, 16>}, {transform_indices = @transform_4, window_bounds = array<i64: 2048, 16>}, {transform_indices = @transform_5, window_bounds = array<i64: 2048, 16>}, {transform_indices = @transform_6, window_bounds = array<i64: 2048>}]} {
    %get3A = arith.constant 0 : index
    %get3A_0 = arith.constant 0 : index
    %get3A_1 = vector.load %arg1[%get3A, %get3A_0] : memref<2048x16xf32, #tpu.memory_space<vmem>>, vector<2048x16xf32>
    %get3A_2 = arith.constant 0 : index
    %get3A_3 = arith.constant 0 : index
    %get3A_4 = vector.load %arg3[%get3A_2, %get3A_3] : memref<2048x16xf32, #tpu.memory_space<vmem>>, vector<2048x16xf32>
    %sub3A = arith.subf %get3A_1, %get3A_4 : vector<2048x16xf32>
    %get3A_5 = arith.constant 0 : index
    %get3A_6 = arith.constant 0 : index
    %get3A_7 = vector.load %arg5[%get3A_5, %get3A_6] : memref<2048x16xf32, #tpu.memory_space<vmem>>, vector<2048x16xf32>
    %mul3A = arith.mulf %sub3A, %get3A_7 : vector<2048x16xf32>
    %get3A_8 = arith.constant 0 : index
    %get3A_9 = arith.constant 0 : index
    %get3A_10 = vector.load %arg2[%get3A_8, %get3A_9] : memref<2048x16xf32, #tpu.memory_space<vmem>>, vector<2048x16xf32>
    %get3A_11 = arith.constant 0 : index
    %get3A_12 = arith.constant 0 : index
    %get3A_13 = vector.load %arg4[%get3A_11, %get3A_12] : memref<2048x16xf32, #tpu.memory_space<vmem>>, vector<2048x16xf32>
    %sub3A_14 = arith.subf %get3A_10, %get3A_13 : vector<2048x16xf32>
    %get3A_15 = arith.constant 0 : index
    %get3A_16 = arith.constant 0 : index
    %get3A_17 = vector.load %arg6[%get3A_15, %get3A_16] : memref<2048x16xf32, #tpu.memory_space<vmem>>, vector<2048x16xf32>
    %mul3A_18 = arith.mulf %sub3A_14, %get3A_17 : vector<2048x16xf32>
    %add3A = arith.addf %mul3A, %mul3A_18 : vector<2048x16xf32>
    %reduce_sum3A = arith.constant dense<0.000000e+00> : vector<2048xf32>
    %reduce_sum3A_19 = vector.multi_reduction <add>, %add3A, %reduce_sum3A [1] : vector<2048x16xf32> to vector<2048xf32>
    %swap3A = arith.constant 0 : index
    %swap3A_20 = vector.load %arg7[%swap3A] : memref<2048xf32, #tpu.memory_space<vmem>>, vector<2048xf32>
    tpu.vector_store %arg7[%swap3A], %reduce_sum3A_19 {strides = array<i32>} : memref<2048xf32, #tpu.memory_space<vmem>>, vector<2048xf32>,
    return
  }
  func.func @transform_0(%arg0: i32) -> (i32, i32) {
    %c0_i32 = arith.constant 0 : i32
    %c0_i32_0 = arith.constant 0 : i32
    return %arg0, %c0_i32 : i32, i32
  }
  func.func @transform_1(%arg0: i32) -> (i32, i32) {
    %c0_i32 = arith.constant 0 : i32
    %c0_i32_0 = arith.constant 0 : i32
    return %arg0, %c0_i32 : i32, i32
  }
  func.func @transform_2(%arg0: i32) -> (i32, i32) {
    %c0_i32 = arith.constant 0 : i32
    %c0_i32_0 = arith.constant 0 : i32
    return %arg0, %c0_i32 : i32, i32
  }
  func.func @transform_3(%arg0: i32) -> (i32, i32) {
    %c0_i32 = arith.constant 0 : i32
    %c0_i32_0 = arith.constant 0 : i32
    return %arg0, %c0_i32 : i32, i32
  }
  func.func @transform_4(%arg0: i32) -> (i32, i32) {
    %c0_i32 = arith.constant 0 : i32
    %c0_i32_0 = arith.constant 0 : i32
    return %arg0, %c0_i32 : i32, i32
  }
  func.func @transform_5(%arg0: i32) -> (i32, i32) {
    %c0_i32 = arith.constant 0 : i32
    %c0_i32_0 = arith.constant 0 : i32
    return %arg0, %c0_i32 : i32, i32
  }
  func.func @transform_6(%arg0: i32) -> i32 {
    %c0_i32 = arith.constant 0 : i32
    return %arg0 : i32
  }
}

</mosaic_0001>

<sc_bundles>
// kernel: kernel.12.cloned.1.call-start
scs
__scs_entry_jumppad:
0x0: {  	(pc) =	sbr.rel $0x88, $3  }
0x1: {  	(tag) =	ssettag $0x0;
	lr =	simm.s32 $0x1  }
0x2: {  	[smem:$0x3F99] =	sst lr;
	_ =	strace $0xD0000000  }
0x3: {  	_ = 	snop  }
0x4: {  	_ = 	snop  }
0x5: {  	_ = 	snop  }
0x6: {  	_ = 	snop  }
0x7: {  	_ = 	snop  }
__scs_overlays_trampoline_lowered:
0x8: {  	[smem:$0x3FA8] =	sst s0  }
0x9: {  	[smem:$0x3FA9] =	sst s1  }
0xa: {  	[smem:$0x3FAA] =	sst s2  }
0xb: {  	[smem:$0x3FAB] =	sst s3  }
0xc: {  	[smem:$0x3FAC] =	sst s4  }
0xd: {  	[smem:$0x3FAD] =	sst s5  }
0xe: {  	[smem:$0x3FAE] =	sst s6  }
0xf: {  	[smem:$0x3FAF] =	sst s7  }
0x10: {  	[smem:$0x3FB0] =	sst s8  }
0x11: {  	[smem:$0x3FB1] =	sst s9;
	s0 =	simm.s32 @!p0 $0x0  }
0x12: {  	s1 =	sld [smem:$0x3F97];
	s0 =	simm.s32 @p0 $0x1  }
0x13: {  	[smem:$0x3FB2] =	sst s0;
	s0 =	simm.s32 @!p1 $0x0  }
0x14: {  	s2 =	sld [smem:$0x3F96];
	s0 =	simm.s32 @p1 $0x1  }
0x15: {  	[smem:$0x3FB3] =	sst s0;
	s0 =	simm.s32 @!p2 $0x0  }
0x16: {  	s3 =	sld [smem:$0x3FDB];
	s0 =	simm.s32 @p2 $0x1  }
0x17: {  	s4 =	simm.s32 $0x1BF5;
	[smem:$0x3FB5] =	sst s0  }
0x18: {  	s0 =	sld [smem:$0x3F98];
	_ =	swait.ge [sflag:s4], $0x0  }
0x19: {  	s7 =	sld [smem:$0x3F99]  }
0x1a: {  	s8 =	sadd.s32 $0xFFFFE003, lr  }
0x1b: {  	s9 =	sadd.s32 $0xFFFFFEF7, lr;
	s5 =	simm.s32 $0xFFFFFFFF;
	p2 =	slt.u32 s8, $0xFFFFF086  }
0x1c: {  	p1 =	slt.u32 s9, $0xF7A;
	s5 =	simm.s32 @!p2 $0x0  }
0x1d: {  	s5 =	simm.s32 @p1 $0x1;
	p0 =	seq.s32 s7, s2  }
0x1e: {  	s7 =	smul.u32 @!p0 $0xF7A, s2;
	p2 =	seq.s32 @!p0 s5, $0x0  }
0x1f: {  	s9 =	smul.u32 $0xF7A, s1;
	s8 =	simm.s32 @!p0 $0x1BF5;
	p2 =	por !p2, p0  }
0x20: {  	[sflag:s8] =	ssyncset.s32 @!p0 $0xFFFFF086;
	s6 =	sadd.s32 @!p0 s3, s7;
	s7 =	simm.s32 @!p0 $0x108  }
0x21: {  	s3 =	sadd.s32 s3, s9;
	s6 =	sadd.s32 @!p0 $0x88, s6;
	s7 =	simm.s32 @p2 $0x1082  }
0x22: {  	[simem:s7], [sflag:s8] =	dma.local @!p0 [hbm:s6], $0xF7A  }
0x23: {  	s9 =	sor.u32 $0xD0000000, s2;
	s6 =	simm.s32 $0x108;
	_ =	swait.ge @!p0 [sflag:s8], $0x0  }
0x24: {  	s3 =	sadd.s32 $0x88, s3;
	s6 =	simm.s32 @!p1 $0x1082;
	[sflag:s4] =	ssyncset.s32 $0xFFFFF086  }
0x25: {  	[simem:s6], [sflag:s4] =	dma.local [hbm:s3], $0xF7A  }
0x26: {  	[smem:$0x3F99] =	sst s1;
	(tag) =	ssettag s2;
	_ =	strace s9  }
0x27: {  	s1 =	sld [smem:$0x3FA9]  }
0x28: {  	s2 =	sld [smem:$0x3FAA]  }
0x29: {  	s4 =	sld [smem:$0x3FAC]  }
0x2a: {  	p0 =	seq.s32 s5, $0x0;
	s5 =	sld [smem:$0x3FAD]  }
0x2b: {  	s6 =	sld [smem:$0x3FAE]  }
0x2c: {  	s7 =	sld [smem:$0x3FAF]  }
0x2d: {  	s3 =	simm.s32 $0x108;
	s8 =	sld [smem:$0x3FB0]  }
0x2e: {  	s3 =	simm.s32 @!p0 $0x1082;
	s9 =	sld [smem:$0x3FB1]  }
0x2f: {  	lr =	sadd.s32 s0, s3;
	s0 =	sld [smem:$0x3FA8]  }
0x30: {  	s3 =	sld [smem:$0x3FAB]  }
0x31: {  	[smem:$0x3FB4] =	sst s10  }
0x32: {  	s10 =	sld [smem:$0x3FB2];
	_ =	sdelay $0x3  }
0x33: {  	p0 =	seq.s32 s10, $0x1;
	s10 =	sld [smem:$0x3FB4];
	_ =	sdelay $0x3  }
0x34: {  	[smem:$0x3FB4] =	sst s10  }
0x35: {  	s10 =	sld [smem:$0x3FB3];
	_ =	sdelay $0x3  }
0x36: {  	p1 =	seq.s32 s10, $0x1;
	s10 =	sld [smem:$0x3FB4];
	_ =	sdelay $0x3  }
0x37: {  	[smem:$0x3FB4] =	sst s10  }
0x38: {  	s10 =	sld [smem:$0x3FB5]  }
0x39: {  	_ = 	snop;
	(pc) =	sbr.ind lr, $3  }
0x3a: {  	_ = 	snop  }
0x3b: {  	_ = 	snop  }
0x3c: {  	p2 =	seq.s32 s10, $0x1;
	s10 =	sld [smem:$0x3FB4]  }
0x3d: {  	_ =	shalt  }
0x3e: {  	_ =	shalt  }
0x3f: {  	_ =	shalt  }
0x40: {  	_ =	shalt  }
0x41: {  	_ =	shalt  }
0x42: {  	_ =	shalt  }
0x43: {  	_ =	shalt  }
0x44: {  	_ =	shalt  }
0x45: {  	_ =	shalt  }
0x46: {  	_ =	shalt  }
0x47: {  	_ =	shalt  }
0x48: {  	_ =	shalt  }
0x49: {  	_ =	shalt  }
0x4a: {  	_ =	shalt  }
0x4b: {  	_ =	shalt  }
0x4c: {  	_ =	shalt  }
0x4d: {  	_ =	shalt  }
0x4e: {  	_ =	shalt  }
0x4f: {  	_ =	shalt  }
0x50: {  	_ =	shalt  }
0x51: {  	_ =	shalt  }
0x52: {  	_ =	shalt  }
0x53: {  	_ =	shalt  }
0x54: {  	_ =	shalt  }
0x55: {  	_ =	shalt  }
0x56: {  	_ =	shalt  }
0x57: {  	_ =	shalt  }
0x58: {  	_ =	shalt  }
0x59: {  	_ =	shalt  }
0x5a: {  	_ =	shalt  }
0x5b: {  	_ =	shalt  }
0x5c: {  	_ =	shalt  }
0x5d: {  	_ =	shalt  }
0x5e: {  	_ =	shalt  }
0x5f: {  	_ =	shalt  }
0x60: {  	_ =	shalt  }
0x61: {  	_ =	shalt  }
0x62: {  	_ =	shalt  }
0x63: {  	_ =	shalt  }
0x64: {  	_ =	shalt  }
0x65: {  	_ =	shalt  }
0x66: {  	_ =	shalt  }
0x67: {  	_ =	shalt  }
0x68: {  	_ =	shalt  }
0x69: {  	_ =	shalt  }
0x6a: {  	_ =	shalt  }
0x6b: {  	_ =	shalt  }
0x6c: {  	_ =	shalt  }
0x6d: {  	_ =	shalt  }
0x6e: {  	_ =	shalt  }
0x6f: {  	_ =	shalt  }
0x70: {  	_ =	shalt  }
0x71: {  	_ =	shalt  }
0x72: {  	_ =	shalt  }
0x73: {  	_ =	shalt  }
0x74: {  	_ =	shalt  }
0x75: {  	_ =	shalt  }
0x76: {  	_ =	shalt  }
0x77: {  	_ =	shalt  }
0x78: {  	_ =	shalt  }
0x79: {  	_ =	shalt  }
0x7a: {  	_ =	shalt  }
0x7b: {  	_ =	shalt  }
0x7c: {  	_ =	shalt  }
0x7d: {  	_ =	shalt  }
0x7e: {  	_ =	shalt  }
0x7f: {  	_ =	shalt  }
0x80: {  	_ =	shalt  }
0x81: {  	_ =	shalt  }
0x82: {  	_ =	shalt  }
0x83: {  	_ =	shalt  }
0x84: {  	_ =	shalt  }
0x85: {  	_ =	shalt  }
0x86: {  	_ =	shalt  }
0x87: {  	_ =	shalt  }
.Lfunc_end0:
.L_simem_size_0:
called_computation.1_lowered:
.L_overlay_start_0:
0x88: {  	s2 =	sld [smem:$0x3FD9]  }
0x89: {  	s3 =	sld [smem:$0x3FFE];
	_ =	sdelay $0x1  }
0x8a: {  	s1 =	srdreg.scid  }
0x8b: {  	s0 =	sand.u32 $0x1, s1  }
0x8c: {  	s15 =	sshll.u32 s0, $0xA;
	s2 =	sadd.s32 s3, s2  }
0x8d: {  	s2 =	sadd.s32 s2, s15  }
0x8e: {  	[smem:$0x3FC0] =	sst s2  }
0x8f: {  	_ = 	snop  }
0x90: {  	s2 =	sld [smem:$0x3FD0];
	_ =	sdelay $0x2  }
0x91: {  	s4 =	simm.s32 $0xB;
	s16 =	simm.s32 $0x10  }
0x92: {  	[smem:s16], [sflag:s4] =	dma.local [hbm:s2], $0x1  }
0x93: {  	_ =	swait.eq [sflag:s4], $0x1  }
0x94: {  	[sflag:s4] =	ssyncset.done $0x0  }
0x95: {  	s17 =	sld [smem:$0x11];
	[sflag:s4] =	ssyncadd.s32 $0xFFFFFFFF  }
0x96: {  	s18 =	sld [smem:$0x12];
	(tm) =	ssettm $0x1  }
0x97: {  	s19 =	sld [smem:$0x3FFB];
	_ =	sdelay $0x3  }
0x98: {  	_ =	strace s19  }
0x99: {  	s2 =	sld [smem:$0x3FFC];
	_ =	sdelay $0x3  }
0x9a: {  	_ =	strace s2  }
0x9b: {  	s2 =	sld [smem:$0x3FFD];
	_ =	sdelay $0x3  }
0x9c: {  	_ =	strace s2  }
0x9d: {  	_ =	strace $0x8FFFFFFF  }
0x9e: {  	s20 =	sld [smem:$0x3FDB];
	_ =	sdelay $0x1  }
0x9f: {  	s5 =	simm.s32 $_scs_section_size  }
0xa0: {  	s6 =	simm.s32 $_size__tile_overlayer_lowered;
	s7 =	simm.s32 $_tile_overlayer_lowered  }
0xa1: {  	s8 =	simm.s32 $0x1BFF;
	s21 =	sshll.u32 s7, $0x1;
	s5 =	sadd.s32 s5, s20  }
0xa2: {  	s22 =	simm.s32 $0x0;
	s6 =	sshll.u32 s6, $0x1;
	s7 =	sadd.s32 s21, s5  }
0xa3: {  	[timem:s22], [sflag:s8] =	dma.local [hbm:s7], s6  }
0xa4: {  	_ =	swait.ge [sflag:s8], s6  }
0xa5: {  	s6 =	ssub.s32 $0x0, s6;
	[sflag:s8] =	ssyncset.done $0x0  }
0xa6: {  	[sflag:s8] =	ssyncadd.s32 s6;
	_ =	sdelay $0x1  }
0xa7: {  	s23 =	simm.s32 $0x1B8B  }
0xa8: {  	_ =	swait.ge [sflag:s23], $0x1  }
0xa9: {  	[sflag:s23] =	ssyncset.done $0x0  }
0xaa: {  	[sflag:s23] =	ssyncadd.s32 $0xFFFFFFFF  }
0xab: {  	s6 =	sld [smem:$0x0]  }
0xac: {  	s7 =	sand.u32 $0xFFFFFFFE, s1  }
0xad: {  	p0 =	sne.s32 s1, s7  }
0xae: {  	s7 =	sshll.u32 @p0 s7, $0xE  }
0xaf: {  	s7 =	sadd.s32 @p0 $0x11B8D, s7;
	s8 =	sshll.u32 @p0 s6, $0x11  }
0xb0: {  	s7 =	sor.u32 @p0 s8, s7  }
0xb1: {  	[sflag:s7] =	ssyncadd.remote.s32 @p0 $0x1;
	_ =	sdelay $0x1  }
0xb2: {  	s7 =	simm.s32 @p0 $0x1B8D  }
0xb3: {  	_ =	swait.eq @p0 [sflag:s7], $0x1  }
0xb4: {  	[sflag:s7] =	ssyncadd.s32 @p0 $0xFFFFFFFF  }
0xb5: {  	s8 =	sshll.u32 @!p0 s1, $0xE  }
0xb6: {  	s8 =	sor.u32 @!p0 $0x4000, s8;
	s7 =	simm.s32 @!p0 $0x1B8D  }
0xb7: {  	s6 =	sshll.u32 @!p0 s6, $0x11;
	s8 =	sadd.s32 @!p0 $0x11B8D, s8;
	_ =	swait.eq @!p0 [sflag:s7], $0x1  }
0xb8: {  	s6 =	sor.u32 @!p0 s6, s8;
	[sflag:s7] =	ssyncadd.s32 @!p0 $0xFFFFFFFF  }
0xb9: {  	s25 =	simm.s32 $0x1B8E;
	s24 =	sld [smem:$0x3FFE];
	[sflag:s6] =	ssyncadd.remote.s32 @!p0 $0x1  }
0xba: {  	s26 =	simm.s32 $execute0_lowered;
	[smem:$0x3FD2] =	sst s25  }
0xbb: {  	s7 =	sshll.u32 s26, $0x1;
	_ =	strace $0x80000049;
	[dreg:$0x1] =	wrdreg $0xFFFFFFFF  }
0xbc: {  	s28 =	simm.s32 $_size_execute0_lowered;
	s5 =	sadd.s32 s5, s7;
	[dreg:$0x0] =	wrdreg $0x0  }
0xbd: {  	s7 =	sshll.u32 s28, $0x1;
	[dreg:$0x2] =	wrdreg s5  }
0xbe: {  	[dreg:$0x3] =	wrdreg s7  }
0xbf: {  	[dreg:$0x4] =	wrdreg $0xC0  }
0xc0: {  	_ =	task [dreg:s22], $0x5FFFF  }
0xc1: {  	[dreg:$0x1] =	wrdreg $0xFFFFFFFF  }
0xc2: {  	[dreg:$0x0] =	wrdreg $0x60  }
0xc3: {  	[dreg:$0x2] =	wrdreg s18  }
0xc4: {  	[dreg:$0x3] =	wrdreg s17  }
0xc5: {  	[dreg:$0x4] =	wrdreg s24  }
0xc6: {  	[dreg:$0x5] =	wrdreg $0xA  }
0xc7: {  	_ =	task.clear_ibuf [dreg:s22], $0x6FFFF;
	_ =	strace $0x90000049  }
0xc8: {  	s29 =	simm.s32 $0xA;
	_ =	strace $0x8000004B  }
0xc9: {  	_ =	swait.ge [sflag:s29], $0x1  }
0xca: {  	[sflag:s29] =	ssyncadd.s32 $0xFFFFFFFF  }
0xcb: {  	_ =	strace $0x9000004B  }
0xcc: {  	_ =	sfence  }
0xcd: {  	s30 =	sld [smem:$0x0];
	_ =	sdelay $0x2  }
0xce: {  	s31 =	sshll.u32 s1, $0xD;
	s1 =	sshrl.u32 s1, $0x2  }
0xcf: {  	s4 =	sand.u32 $0x4000, s31;
	s1 =	sadd.s32 s1, s30  }
0xd0: {  	s0 =	sor.u32 s4, s0;
	s1 =	sshll.u32 s1, $0x11  }
0xd1: {  	s0 =	sor.u32 s1, s0  }
0xd2: {  	s0 =	sadd.s32 $0x8F2B, s0  }
0xd3: {  	[sflag:s0] =	ssyncadd.remote.s32 $0x1  }
0xd4: {  	_ =	sfence.sel $0xFFFF  }
0xd5: {  	[dreg:$0x0] =	wrdreg $0xFFFFFFFF;
	(pc) =	sbr.abs _section_cstart, $3  }
0xd6: {  	[dreg:$0x1] =	wrdreg $0xFFFFFFFF  }
0xd7: {  	_ =	task.clear_ibuf [dreg:s22], $0x2FFFF;
	_ =	strace $0x9FFFFFFF  }
0xd8: {  	(tm) =	ssettm $0x7FFFFFFF  }
0xd9: {  	_ =	shalt  }
tec
execute0_lowered:
.L_overlay_start_1:
0x0: {  	(tag) =	ssettag $0x1  }
0x1: {  	s5 =	rddreg [dreg:$0x0]  }
0x2: {  	s8 =	rddreg [dreg:$0x1]  }
0x3: {  	s6 =	rddreg [dreg:$0x2]  }
0x4: {  	s0 =	rddreg [dreg:$0x3]  }
0x5: {  	s2 =	simm.s32 $0x0;
	s3 =	srdreg.scid;
	s1 =	stileid.u32  }
0x6: {  	s13 =	simm.s32 $0x2000;
	s14 =	simm.s32 $0x4000;
	s15 =	simm.s32 $0x6000  }
0x7: {  	s16 =	simm.s32 $0x8000;
	s17 =	simm.s32 $0xA000;
	s18 =	simm.s32 $0x1  }
0x8: {  	s19 =	simm.s32 $0xC000;
	s20 =	simm.s32 $0xE000;
	s21 =	simm.s32 $0x2  }
0x9: {  	s22 =	simm.s32 $0x0;
	[smem:$0x7FF] =	sst s2;
	s3 =	sand.u32 $0x1, s3  }
0xa: {  	s4 =	sshll.u32 s1, $0xB;
	_ =	strace $0x8000004A;
	s7 =	sshll.u32 s3, $0xA  }
0xb: {  	s9 =	ssub.s32 $0x2, s3;
	s3 =	sadd.s32 $0x31BA00, s6;
	s10 =	sor.u32 s7, s4  }
0xc: {  	s31 =	sshrl.u32 s9, $0x1;
	s4 =	sadd.s32 $0x223A00, s6;
	s11 =	sadd.s32 s10, s6  }
0xd: {  	s12 =	ssub.s32 s9, s31;
	s5 =	sadd.s32 s5, s10;
	s6 =	sadd.s32 $0x21BA00, s11  }
0xe: {  	s8 =	sadd.s32 s8, s10;
	s7 =	sadd.s32 $0x213A00, s11;
	s9 =	sadd.s32 $0x413A00, s11  }
0xf: {  	s10 =	sadd.s32 $0x41BA00, s11;
	s11 =	smax.u32 s12, $0x1;
	s12 =	simm.s32 $0x3  }
.LBB2_1:
0x10: {  	[tilespmem:s2], [sflag:$0x3] =	stream.linear.gather [hbm4b:s5+s2], $0x2000, $0x38;
	[tilespmem:$0x10000] =	vst v63  }
0x11: {  	_ =	swait.ge [sflag:s12], $0x2000  }
0x12: {  	[sflag:s12] =	ssyncset.done $0x0  }
0x13: {  	[sflag:s12] =	ssyncadd.s32 $0xFFFFE000  }
0x14: {  	[tilespmem:s13], [sflag:$0x3] =	stream.linear.gather [hbm4b:s8+s2], $0x2000, $0x38;
	[tilespmem:$0x10000] =	vst v63  }
0x15: {  	_ =	swait.ge [sflag:s12], $0x2000  }
0x16: {  	[sflag:s12] =	ssyncset.done $0x0  }
0x17: {  	[sflag:s12] =	ssyncadd.s32 $0xFFFFE000  }
0x18: {  	[tilespmem:s14], [sflag:$0x3] =	stream.linear.gather [hbm4b:s6+s2], $0x2000, $0x38;
	[tilespmem:$0x10000] =	vst v63  }
0x19: {  	_ =	swait.ge [sflag:s12], $0x2000  }
0x1a: {  	[sflag:s12] =	ssyncset.done $0x0  }
0x1b: {  	[sflag:s12] =	ssyncadd.s32 $0xFFFFE000  }
0x1c: {  	[tilespmem:s15], [sflag:$0x3] =	stream.linear.gather [hbm4b:s7+s2], $0x2000, $0x38;
	[tilespmem:$0x10000] =	vst v63  }
0x1d: {  	_ =	swait.ge [sflag:s12], $0x2000  }
0x1e: {  	[sflag:s12] =	ssyncset.done $0x0  }
0x1f: {  	[sflag:s12] =	ssyncadd.s32 $0xFFFFE000  }
0x20: {  	[tilespmem:s16], [sflag:$0x1] =	stream.indirect.gather [hbm4b:s3+s13], $0x1, s2, s13, $0xb8;
	[tilespmem:$0x10000] =	vst v63  }
0x21: {  	_ = 	snop  }
0x22: {  	[tilespmem:s17], [sflag:$0x1] =	stream.indirect.gather [hbm4b:s4+s13], $0x1, s13, s13, $0xb8;
	[tilespmem:$0x10000] =	vst v63  }
0x23: {  	_ =	swait.ge [sflag:s18], $0x2000  }
0x24: {  	[sflag:s18] =	ssyncset.done $0x0  }
0x25: {  	[sflag:s18] =	ssyncadd.s32 $0xFFFFE000  }
0x26: {  	_ =	swait.ge [sflag:s18], $0x2000  }
0x27: {  	[sflag:s18] =	ssyncset.done $0x0  }
0x28: {  	s23 =	simm.s32 $0x0;
	[sflag:s18] =	ssyncadd.s32 $0xFFFFE000  }
0x29: {  	v0 =	vld [tilespmem:s23+$0xA000]  }
0x2a: {  	v2 =	vld [tilespmem:s23+$0x6000]  }
0x2b: {  	v1 =	vld [tilespmem:s23+$0x8000]  }
0x2c: {  	v3 =	vld [tilespmem:s23+$0x4000]  }
0x2d: {  	s24 =	simm.s32 $0x40  }
.LBB2_2:
0x2e: {  	s25 =	sshra.s32 s24, $0x2;
	p0 =	sne.s32 s24, $0x7FC0  }
.Ltmp0:
0x2f: {  	s24 =	sadd.s32 $0x40, s24;
	v4 =	vshrl.u32 v0, v2;
	v0 =	vld [tilespmem:s25+$0xA000];
	(pc) =	sbr.rel @p0 .LBB2_2-.Ltmp0, $4  }
0x30: {  	v2 =	vld [tilespmem:s25+$0x6000];
	v4 =	vshll.u32 v4, $0x10  }
0x31: {  	v5 =	vshrl.u32 v1, v3;
	v1 =	vld [tilespmem:s25+$0x8000];
	[tilespmem:s23+$0xE000] =	vst v4  }
0x32: {  	v3 =	vld [tilespmem:s25+$0x4000];
	v4 =	vshll.u32 v5, $0x10  }
0x33: {  	[tilespmem:s23+$0xC000] =	vst v4;
	s23 =	smov.u32 s25  }
0x34: {  	_ =	sdelay $0x1  }
0x35: {  	v0 =	vshrl.u32 v0, v2  }
0x36: {  	v0 =	vshll.u32 v0, $0x10;
	v1 =	vshrl.u32 v1, v3  }
0x37: {  	[tilespmem:s23+$0xE000] =	vst v0;
	v63 =	vshll.u32 v1, $0x10  }
0x38: {  	[tilespmem:s23+$0xC000] =	vst v63  }
0x39: {  	[hbm4b:s9+s2] =	stream.linear.scatter [tilespmem:s19], [sflag:$0x2], $0x2000, $0x38;
	[tilespmem:$0x10000] =	vst v63  }
0x3a: {  	s22 =	sadd.s32 $0x1, s22  }
0x3b: {  	[hbm4b:s10+s2] =	stream.linear.scatter [tilespmem:s20], [sflag:$0x2], $0x2000, $0x38;
	[tilespmem:$0x10000] =	vst v63  }
0x3c: {  	p0 =	sne.s32 s22, s11;
	_ =	swait.ge [sflag:s21], $0x2000  }
.Ltmp1:
0x3d: {  	[sflag:s21] =	ssyncset.done $0x0;
	(pc) =	sbr.rel @p0 .LBB2_1-.Ltmp1, $4  }
0x3e: {  	[sflag:s21] =	ssyncadd.s32 $0xFFFFE000  }
0x3f: {  	_ =	swait.ge [sflag:s21], $0x2000  }
0x40: {  	[sflag:s21] =	ssyncset.done $0x0  }
0x41: {  	[sflag:s21] =	ssyncadd.s32 $0xFFFFE000  }
0x42: {  	_ =	sfence.sel $0x180000  }
0x43: {  	[bflag:$0x0] =	sbarrier.arrive $0xFFFF  }
0x44: {  	p0 =	sne.s32 s1, $0x0;
	_ =	strace $0x9000004A  }
0x45: {  	s0 =	sadd.s32 @!p0 $0x100000, s0;
	[bflag:$0x2] =	sbarrier.arrive $0xFFFF  }
0x46: {  	[sflag:s0] =	ssyncadd.tile.s32 @!p0 $0x1;
	_ =	shalt  }
.Lfunc_end2:
_tile_overlayer_lowered:
.L_overlay_start_2:
0x47: {  	(tag) =	ssettag $0x2  }
0x48: {  	s0 =	rddreg [dreg:$0x0];
	s2 =	stileid.u32  }
0x49: {  	s1 =	rddreg [dreg:$0x1];
	p0 =	sne.s32 s2, $0x0  }
0x4a: {  	s3 =	rddreg [dreg:$0x2];
	[bflag:$0x3] =	sbarrier.arrive $0xFFFF;
	s2 =	simm.s32 @!p0 $0x1C03  }
0x4b: {  	[timem:s3], [sflag:s2] =	dma.local @!p0 [hbm:s0], s1  }
0x4c: {  	s0 =	simm.s32 @!p0 $0x3  }
0x4d: {  	_ =	swait.ge @!p0 [sflag:s0], s1  }
0x4e: {  	s1 =	ssub.s32 @!p0 $0x0, s1;
	[sflag:s0] =	ssyncset.done @!p0 $0x0  }
0x4f: {  	[sflag:s0] =	ssyncadd.s32 @!p0 s1  }
0x50: {  	[bflag:$0x3] =	sbarrier.arrive $0xFFFF  }
0x51: {  	_ =	shalt  }

// kernel: kernel.9.cloned.1.call-start
scs
__scs_entry_jumppad:
0x0: {  	(pc) =	sbr.rel $0x88, $3  }
0x1: {  	(tag) =	ssettag $0x0;
	lr =	simm.s32 $0x1  }
0x2: {  	[smem:$0x3F99] =	sst lr;
	_ =	strace $0xD0000000  }
0x3: {  	_ = 	snop  }
0x4: {  	_ = 	snop  }
0x5: {  	_ = 	snop  }
0x6: {  	_ = 	snop  }
0x7: {  	_ = 	snop  }
__scs_overlays_trampoline_lowered:
0x8: {  	[smem:$0x3FA8] =	sst s0  }
0x9: {  	[smem:$0x3FA9] =	sst s1  }
0xa: {  	[smem:$0x3FAA] =	sst s2  }
0xb: {  	[smem:$0x3FAB] =	sst s3  }
0xc: {  	[smem:$0x3FAC] =	sst s4  }
0xd: {  	[smem:$0x3FAD] =	sst s5  }
0xe: {  	[smem:$0x3FAE] =	sst s6  }
0xf: {  	[smem:$0x3FAF] =	sst s7  }
0x10: {  	[smem:$0x3FB0] =	sst s8  }
0x11: {  	[smem:$0x3FB1] =	sst s9;
	s0 =	simm.s32 @!p0 $0x0  }
0x12: {  	s1 =	sld [smem:$0x3F97];
	s0 =	simm.s32 @p0 $0x1  }
0x13: {  	[smem:$0x3FB2] =	sst s0;
	s0 =	simm.s32 @!p1 $0x0  }
0x14: {  	s2 =	sld [smem:$0x3F96];
	s0 =	simm.s32 @p1 $0x1  }
0x15: {  	[smem:$0x3FB3] =	sst s0;
	s0 =	simm.s32 @!p2 $0x0  }
0x16: {  	s3 =	sld [smem:$0x3FDB];
	s0 =	simm.s32 @p2 $0x1  }
0x17: {  	s4 =	simm.s32 $0x1BF5;
	[smem:$0x3FB5] =	sst s0  }
0x18: {  	s0 =	sld [smem:$0x3F98];
	_ =	swait.ge [sflag:s4], $0x0  }
0x19: {  	s7 =	sld [smem:$0x3F99]  }
0x1a: {  	s8 =	sadd.s32 $0xFFFFE003, lr  }
0x1b: {  	s9 =	sadd.s32 $0xFFFFFEF7, lr;
	s5 =	simm.s32 $0xFFFFFFFF;
	p2 =	slt.u32 s8, $0xFFFFF086  }
0x1c: {  	p1 =	slt.u32 s9, $0xF7A;
	s5 =	simm.s32 @!p2 $0x0  }
0x1d: {  	s5 =	simm.s32 @p1 $0x1;
	p0 =	seq.s32 s7, s2  }
0x1e: {  	s7 =	smul.u32 @!p0 $0xF7A, s2;
	p2 =	seq.s32 @!p0 s5, $0x0  }
0x1f: {  	s9 =	smul.u32 $0xF7A, s1;
	s8 =	simm.s32 @!p0 $0x1BF5;
	p2 =	por !p2, p0  }
0x20: {  	[sflag:s8] =	ssyncset.s32 @!p0 $0xFFFFF086;
	s6 =	sadd.s32 @!p0 s3, s7;
	s7 =	simm.s32 @!p0 $0x108  }
0x21: {  	s3 =	sadd.s32 s3, s9;
	s6 =	sadd.s32 @!p0 $0x88, s6;
	s7 =	simm.s32 @p2 $0x1082  }
0x22: {  	[simem:s7], [sflag:s8] =	dma.local @!p0 [hbm:s6], $0xF7A  }
0x23: {  	s9 =	sor.u32 $0xD0000000, s2;
	s6 =	simm.s32 $0x108;
	_ =	swait.ge @!p0 [sflag:s8], $0x0  }
0x24: {  	s3 =	sadd.s32 $0x88, s3;
	s6 =	simm.s32 @!p1 $0x1082;
	[sflag:s4] =	ssyncset.s32 $0xFFFFF086  }
0x25: {  	[simem:s6], [sflag:s4] =	dma.local [hbm:s3], $0xF7A  }
0x26: {  	[smem:$0x3F99] =	sst s1;
	(tag) =	ssettag s2;
	_ =	strace s9  }
0x27: {  	s1 =	sld [smem:$0x3FA9]  }
0x28: {  	s2 =	sld [smem:$0x3FAA]  }
0x29: {  	s4 =	sld [smem:$0x3FAC]  }
0x2a: {  	p0 =	seq.s32 s5, $0x0;
	s5 =	sld [smem:$0x3FAD]  }
0x2b: {  	s6 =	sld [smem:$0x3FAE]  }
0x2c: {  	s7 =	sld [smem:$0x3FAF]  }
0x2d: {  	s3 =	simm.s32 $0x108;
	s8 =	sld [smem:$0x3FB0]  }
0x2e: {  	s3 =	simm.s32 @!p0 $0x1082;
	s9 =	sld [smem:$0x3FB1]  }
0x2f: {  	lr =	sadd.s32 s0, s3;
	s0 =	sld [smem:$0x3FA8]  }
0x30: {  	s3 =	sld [smem:$0x3FAB]  }
0x31: {  	[smem:$0x3FB4] =	sst s10  }
0x32: {  	s10 =	sld [smem:$0x3FB2];
	_ =	sdelay $0x3  }
0x33: {  	p0 =	seq.s32 s10, $0x1;
	s10 =	sld [smem:$0x3FB4];
	_ =	sdelay $0x3  }
0x34: {  	[smem:$0x3FB4] =	sst s10  }
0x35: {  	s10 =	sld [smem:$0x3FB3];
	_ =	sdelay $0x3  }
0x36: {  	p1 =	seq.s32 s10, $0x1;
	s10 =	sld [smem:$0x3FB4];
	_ =	sdelay $0x3  }
0x37: {  	[smem:$0x3FB4] =	sst s10  }
0x38: {  	s10 =	sld [smem:$0x3FB5]  }
0x39: {  	_ = 	snop;
	(pc) =	sbr.ind lr, $3  }
0x3a: {  	_ = 	snop  }
0x3b: {  	_ = 	snop  }
0x3c: {  	p2 =	seq.s32 s10, $0x1;
	s10 =	sld [smem:$0x3FB4]  }
0x3d: {  	_ =	shalt  }
0x3e: {  	_ =	shalt  }
0x3f: {  	_ =	shalt  }
0x40: {  	_ =	shalt  }
0x41: {  	_ =	shalt  }
0x42: {  	_ =	shalt  }
0x43: {  	_ =	shalt  }
0x44: {  	_ =	shalt  }
0x45: {  	_ =	shalt  }
0x46: {  	_ =	shalt  }
0x47: {  	_ =	shalt  }
0x48: {  	_ =	shalt  }
0x49: {  	_ =	shalt  }
0x4a: {  	_ =	shalt  }
0x4b: {  	_ =	shalt  }
0x4c: {  	_ =	shalt  }
0x4d: {  	_ =	shalt  }
0x4e: {  	_ =	shalt  }
0x4f: {  	_ =	shalt  }
0x50: {  	_ =	shalt  }
0x51: {  	_ =	shalt  }
0x52: {  	_ =	shalt  }
0x53: {  	_ =	shalt  }
0x54: {  	_ =	shalt  }
0x55: {  	_ =	shalt  }
0x56: {  	_ =	shalt  }
0x57: {  	_ =	shalt  }
0x58: {  	_ =	shalt  }
0x59: {  	_ =	shalt  }
0x5a: {  	_ =	shalt  }
0x5b: {  	_ =	shalt  }
0x5c: {  	_ =	shalt  }
0x5d: {  	_ =	shalt  }
0x5e: {  	_ =	shalt  }
0x5f: {  	_ =	shalt  }
0x60: {  	_ =	shalt  }
0x61: {  	_ =	shalt  }
0x62: {  	_ =	shalt  }
0x63: {  	_ =	shalt  }
0x64: {  	_ =	shalt  }
0x65: {  	_ =	shalt  }
0x66: {  	_ =	shalt  }
0x67: {  	_ =	shalt  }
0x68: {  	_ =	shalt  }
0x69: {  	_ =	shalt  }
0x6a: {  	_ =	shalt  }
0x6b: {  	_ =	shalt  }
0x6c: {  	_ =	shalt  }
0x6d: {  	_ =	shalt  }
0x6e: {  	_ =	shalt  }
0x6f: {  	_ =	shalt  }
0x70: {  	_ =	shalt  }
0x71: {  	_ =	shalt  }
0x72: {  	_ =	shalt  }
0x73: {  	_ =	shalt  }
0x74: {  	_ =	shalt  }
0x75: {  	_ =	shalt  }
0x76: {  	_ =	shalt  }
0x77: {  	_ =	shalt  }
0x78: {  	_ =	shalt  }
0x79: {  	_ =	shalt  }
0x7a: {  	_ =	shalt  }
0x7b: {  	_ =	shalt  }
0x7c: {  	_ =	shalt  }
0x7d: {  	_ =	shalt  }
0x7e: {  	_ =	shalt  }
0x7f: {  	_ =	shalt  }
0x80: {  	_ =	shalt  }
0x81: {  	_ =	shalt  }
0x82: {  	_ =	shalt  }
0x83: {  	_ =	shalt  }
0x84: {  	_ =	shalt  }
0x85: {  	_ =	shalt  }
0x86: {  	_ =	shalt  }
0x87: {  	_ =	shalt  }
.Lfunc_end0:
.L_simem_size_0:
called_computation_lowered:
.L_overlay_start_0:
0x88: {  	s2 =	sld [smem:$0x3FD9]  }
0x89: {  	s3 =	sld [smem:$0x3FFE];
	_ =	sdelay $0x1  }
0x8a: {  	s1 =	srdreg.scid  }
0x8b: {  	s0 =	sand.u32 $0x1, s1  }
0x8c: {  	s14 =	sshll.u32 s0, $0xA;
	s2 =	sadd.s32 s3, s2  }
0x8d: {  	s2 =	sadd.s32 s2, s14  }
0x8e: {  	[smem:$0x3FC0] =	sst s2  }
0x8f: {  	_ = 	snop  }
0x90: {  	s2 =	sld [smem:$0x3FD0];
	_ =	sdelay $0x2  }
0x91: {  	s15 =	simm.s32 $0xB;
	s4 =	simm.s32 $0x10  }
0x92: {  	[smem:s4], [sflag:s15] =	dma.local [hbm:s2], $0x1  }
0x93: {  	_ =	swait.eq [sflag:s15], $0x1  }
0x94: {  	s16 =	sld [smem:$0x13]  }
0x95: {  	s17 =	sld [smem:$0x14];
	[sflag:s15] =	ssyncset.done $0x0  }
0x96: {  	s5 =	sld [smem:$0x15];
	[sflag:s15] =	ssyncadd.s32 $0xFFFFFFFF  }
0x97: {  	s18 =	sld [smem:$0x16];
	(tm) =	ssettm $0x1  }
0x98: {  	s6 =	sld [smem:$0x3FFB];
	_ =	sdelay $0x3  }
0x99: {  	_ =	strace s6  }
0x9a: {  	s6 =	sld [smem:$0x3FFC];
	_ =	sdelay $0x3  }
0x9b: {  	_ =	strace s6  }
0x9c: {  	s6 =	sld [smem:$0x3FFD];
	_ =	sdelay $0x3  }
0x9d: {  	_ =	strace s6  }
0x9e: {  	_ =	strace $0x8FFFFFFF  }
0x9f: {  	s19 =	sld [smem:$0x3FDB];
	_ =	sdelay $0x1  }
0xa0: {  	s7 =	simm.s32 $_scs_section_size  }
0xa1: {  	s8 =	simm.s32 $_size__tile_overlayer_lowered;
	s9 =	simm.s32 $_tile_overlayer_lowered  }
0xa2: {  	s22 =	simm.s32 $0x1BFF;
	s21 =	sshll.u32 s9, $0x1;
	s6 =	sadd.s32 s7, s19  }
0xa3: {  	s10 =	simm.s32 $0x0;
	s20 =	sshll.u32 s8, $0x1;
	s8 =	sadd.s32 s21, s6  }
0xa4: {  	[timem:s10], [sflag:s22] =	dma.local [hbm:s8], s20  }
0xa5: {  	_ =	swait.ge [sflag:s22], s20  }
0xa6: {  	s7 =	ssub.s32 $0x0, s20;
	[sflag:s22] =	ssyncset.done $0x0  }
0xa7: {  	[sflag:s22] =	ssyncadd.s32 s7;
	_ =	sdelay $0x1  }
0xa8: {  	s23 =	simm.s32 $0x1B8B  }
0xa9: {  	_ =	swait.ge [sflag:s23], $0x1  }
0xaa: {  	[sflag:s23] =	ssyncset.done $0x0  }
0xab: {  	s25 =	simm.s32 $0x1B8E;
	s24 =	sld [smem:$0x3FFE];
	[sflag:s23] =	ssyncadd.s32 $0xFFFFFFFF  }
0xac: {  	s26 =	simm.s32 $execute0_lowered;
	[smem:$0x3FD2] =	sst s25  }
0xad: {  	s8 =	sshll.u32 s26, $0x1;
	_ =	strace $0x80000046;
	[dreg:$0x1] =	wrdreg $0xFFFFFFFF  }
0xae: {  	s28 =	simm.s32 $_size_execute0_lowered;
	s6 =	sadd.s32 s6, s8;
	[dreg:$0x0] =	wrdreg $0x0  }
0xaf: {  	s8 =	sshll.u32 s28, $0x1;
	[dreg:$0x2] =	wrdreg s6  }
0xb0: {  	[dreg:$0x3] =	wrdreg s8  }
0xb1: {  	[dreg:$0x4] =	wrdreg $0xC0  }
0xb2: {  	_ =	task [dreg:s10], $0x5FFFF  }
0xb3: {  	[dreg:$0x1] =	wrdreg $0xFFFFFFFF  }
0xb4: {  	[dreg:$0x0] =	wrdreg $0x60  }
0xb5: {  	[dreg:$0x2] =	wrdreg s18  }
0xb6: {  	[dreg:$0x3] =	wrdreg s5  }
0xb7: {  	[dreg:$0x4] =	wrdreg s17  }
0xb8: {  	[dreg:$0x5] =	wrdreg s16  }
0xb9: {  	[dreg:$0x6] =	wrdreg s24  }
0xba: {  	[dreg:$0x7] =	wrdreg $0x9  }
0xbb: {  	_ =	task.clear_ibuf [dreg:s10], $0x8FFFF;
	_ =	strace $0x90000046  }
0xbc: {  	s29 =	simm.s32 $0x9;
	_ =	strace $0x80000048  }
0xbd: {  	_ =	swait.ge [sflag:s29], $0x1  }
0xbe: {  	[sflag:s29] =	ssyncadd.s32 $0xFFFFFFFF  }
0xbf: {  	_ =	strace $0x90000048  }
0xc0: {  	_ =	sfence  }
0xc1: {  	s30 =	sld [smem:$0x0];
	_ =	sdelay $0x2  }
0xc2: {  	s31 =	sshll.u32 s1, $0xD;
	s1 =	sshrl.u32 s1, $0x2  }
0xc3: {  	s3 =	sand.u32 $0x4000, s31;
	s1 =	sadd.s32 s1, s30  }
0xc4: {  	s0 =	sor.u32 s3, s0;
	s1 =	sshll.u32 s1, $0x11  }
0xc5: {  	s0 =	sor.u32 s1, s0  }
0xc6: {  	s0 =	sadd.s32 $0x8F2B, s0  }
0xc7: {  	[sflag:s0] =	ssyncadd.remote.s32 $0x1  }
0xc8: {  	_ =	sfence.sel $0xFFFF  }
0xc9: {  	[dreg:$0x0] =	wrdreg $0xFFFFFFFF;
	(pc) =	sbr.abs _section_cstart, $3  }
0xca: {  	[dreg:$0x1] =	wrdreg $0xFFFFFFFF  }
0xcb: {  	_ =	task.clear_ibuf [dreg:s10], $0x2FFFF;
	_ =	strace $0x9FFFFFFF  }
0xcc: {  	(tm) =	ssettm $0x7FFFFFFF  }
0xcd: {  	_ =	shalt  }
tec
execute0_lowered:
.L_overlay_start_1:
0x0: {  	(tag) =	ssettag $0x1  }
0x1: {  	s0 =	rddreg [dreg:$0x0]  }
0x2: {  	s6 =	rddreg [dreg:$0x1]  }
0x3: {  	s7 =	rddreg [dreg:$0x2]  }
0x4: {  	s8 =	rddreg [dreg:$0x3]  }
0x5: {  	s5 =	rddreg [dreg:$0x4]  }
0x6: {  	s2 =	simm.s32 $0x0;
	s3 =	srdreg.scid;
	s1 =	stileid.u32  }
0x7: {  	s14 =	simm.s32 $0x3;
	s15 =	simm.s32 $0x2000;
	s16 =	simm.s32 $0x4000  }
0x8: {  	s17 =	simm.s32 $0x6000;
	s18 =	simm.s32 $0x8000;
	s19 =	simm.s32 $0xA000  }
0x9: {  	s20 =	simm.s32 $0xC000;
	s21 =	simm.s32 $0xE000;
	s22 =	simm.s32 $0x1  }
0xa: {  	s23 =	simm.s32 $0x10000;
	s24 =	simm.s32 $0x12000;
	s25 =	simm.s32 $0x14000  }
0xb: {  	s26 =	simm.s32 $0x16000;
	s28 =	simm.s32 $0x2;
	s29 =	simm.s32 $0x0  }
0xc: {  	[smem:$0x7FF] =	sst s2;
	s3 =	sand.u32 $0x1, s3;
	s4 =	sshll.u32 s1, $0xB  }
0xd: {  	_ =	strace $0x80000047;
	s9 =	sshll.u32 s3, $0xA;
	s10 =	ssub.s32 $0x2, s3  }
0xe: {  	s3 =	sadd.s32 $0xFBA00, s5;
	s9 =	sor.u32 s9, s4;
	s11 =	sshrl.u32 s10, $0x1  }
0xf: {  	s4 =	sadd.s32 $0x3A00, s5;
	s12 =	sadd.s32 s9, s5;
	s13 =	ssub.s32 s10, s11  }
0x10: {  	s5 =	sadd.s32 s0, s9;
	s6 =	sadd.s32 s6, s9;
	s7 =	sadd.s32 s7, s9  }
0x11: {  	s8 =	sadd.s32 s8, s9;
	s9 =	sadd.s32 $0x1F3A00, s12;
	s10 =	sadd.s32 $0x1FBA00, s12  }
0x12: {  	s11 =	sadd.s32 $0x203A00, s12;
	s12 =	sadd.s32 $0x20BA00, s12;
	s13 =	smax.u32 s13, $0x1  }
.LBB2_1:
0x13: {  	[tilespmem:s2], [sflag:$0x3] =	stream.linear.gather [hbm4b:s5+s2], $0x2000, $0x38;
	[tilespmem:$0x18000] =	vst v63  }
0x14: {  	_ =	swait.ge [sflag:s14], $0x2000  }
0x15: {  	[sflag:s14] =	ssyncset.done $0x0  }
0x16: {  	[sflag:s14] =	ssyncadd.s32 $0xFFFFE000  }
0x17: {  	[tilespmem:s15], [sflag:$0x3] =	stream.linear.gather [hbm4b:s6+s2], $0x2000, $0x38;
	[tilespmem:$0x18000] =	vst v63  }
0x18: {  	_ =	swait.ge [sflag:s14], $0x2000  }
0x19: {  	[sflag:s14] =	ssyncset.done $0x0  }
0x1a: {  	[sflag:s14] =	ssyncadd.s32 $0xFFFFE000  }
0x1b: {  	[tilespmem:s16], [sflag:$0x3] =	stream.linear.gather [hbm4b:s7+s2], $0x2000, $0x38;
	[tilespmem:$0x18000] =	vst v63  }
0x1c: {  	_ =	swait.ge [sflag:s14], $0x2000  }
0x1d: {  	[sflag:s14] =	ssyncset.done $0x0  }
0x1e: {  	[sflag:s14] =	ssyncadd.s32 $0xFFFFE000  }
0x1f: {  	[tilespmem:s17], [sflag:$0x3] =	stream.linear.gather [hbm4b:s8+s2], $0x2000, $0x38;
	[tilespmem:$0x18000] =	vst v63  }
0x20: {  	_ =	swait.ge [sflag:s14], $0x2000  }
0x21: {  	[sflag:s14] =	ssyncset.done $0x0  }
0x22: {  	[sflag:s14] =	ssyncadd.s32 $0xFFFFE000  }
0x23: {  	[tilespmem:s18], [sflag:$0x1] =	stream.indirect.gather [hbm4b:s3+s15], $0x1, s2, s15, $0xb8;
	[tilespmem:$0x18000] =	vst v63  }
0x24: {  	_ = 	snop  }
0x25: {  	[tilespmem:s19], [sflag:$0x1] =	stream.indirect.gather [hbm4b:s4+s15], $0x1, s2, s15, $0xb8;
	[tilespmem:$0x18000] =	vst v63  }
0x26: {  	_ = 	snop  }
0x27: {  	[tilespmem:s20], [sflag:$0x1] =	stream.indirect.gather [hbm4b:s3+s15], $0x1, s15, s15, $0xb8;
	[tilespmem:$0x18000] =	vst v63  }
0x28: {  	_ = 	snop  }
0x29: {  	[tilespmem:s21], [sflag:$0x1] =	stream.indirect.gather [hbm4b:s4+s15], $0x1, s15, s15, $0xb8;
	[tilespmem:$0x18000] =	vst v63  }
0x2a: {  	_ =	swait.ge [sflag:s22], $0x2000  }
0x2b: {  	[sflag:s22] =	ssyncset.done $0x0  }
0x2c: {  	[sflag:s22] =	ssyncadd.s32 $0xFFFFE000  }
0x2d: {  	_ =	swait.ge [sflag:s22], $0x2000  }
0x2e: {  	[sflag:s22] =	ssyncset.done $0x0  }
0x2f: {  	[sflag:s22] =	ssyncadd.s32 $0xFFFFE000  }
0x30: {  	_ =	swait.ge [sflag:s22], $0x2000  }
0x31: {  	[sflag:s22] =	ssyncset.done $0x0  }
0x32: {  	[sflag:s22] =	ssyncadd.s32 $0xFFFFE000  }
0x33: {  	_ =	swait.ge [sflag:s22], $0x2000  }
0x34: {  	[sflag:s22] =	ssyncset.done $0x0  }
0x35: {  	s31 =	simm.s32 $0x0;
	[sflag:s22] =	ssyncadd.s32 $0xFFFFE000  }
0x36: {  	v6 =	vld [tilespmem:s31+$0x6000]  }
0x37: {  	v1 =	vld [tilespmem:s31+$0xE000]  }
0x38: {  	v2 =	vld [tilespmem:s31+$0x8000]  }
0x39: {  	v4 =	vld [tilespmem:s31+$0x4000]  }
0x3a: {  	v5 =	vld [tilespmem:s31+$0xA000]  }
0x3b: {  	s30 =	simm.s32 $0x10;
	v7 =	vld [tilespmem:s31+$0xC000]  }
0x3c: {  	v0 =	vld [tilespmem:s30+$0x6000];
	v1 =	vshrl.u32 v1, v6  }
0x3d: {  	v3 =	vld [tilespmem:s30+$0xE000];
	v8 =	vshll.u32 v1, $0x10  }
0x3e: {  	v1 =	vld [tilespmem:s30+$0x8000];
	[tilespmem:s31+$0x16000] =	vst v8;
	v8 =	vshrl.u32 v2, v4  }
0x3f: {  	v5 =	vshrl.u32 v5, v4;
	v2 =	vld [tilespmem:s30+$0x4000];
	v8 =	vshll.u32 v8, $0x10  }
0x40: {  	s0 =	simm.s32 $0x80;
	v6 =	vshrl.u32 v7, v6;
	v5 =	vshll.u32 v5, $0x10;
	v4 =	vld [tilespmem:s30+$0xA000];
	[tilespmem:s31+$0x10000] =	vst v8  }
.LBB2_2:
0x41: {  	s1 =	sshra.s32 s0, $0x2;
	v7 =	vld [tilespmem:s30+$0xC000];
	[tilespmem:s31+$0x12000] =	vst v5;
	v5 =	vshll.u32 v6, $0x10;
	v6 =	vmov v0;
	p0 =	sne.s32 s0, $0x7FC0  }
.Ltmp0:
0x42: {  	s0 =	sadd.s32 $0x40, s0;
	v0 =	vld [tilespmem:s1+$0x6000];
	v8 =	vshrl.u32 v3, v6;
	[tilespmem:s31+$0x14000] =	vst v5;
	(pc) =	sbr.rel @p0 .LBB2_2-.Ltmp0, $4  }
0x43: {  	s31 =	smov.u32 s30;
	s30 =	smov.u32 s1;
	v3 =	vld [tilespmem:s1+$0xE000];
	v5 =	vshll.u32 v8, $0x10  }
0x44: {  	v8 =	vshrl.u32 v1, v2;
	v1 =	vld [tilespmem:s30+$0x8000];
	[tilespmem:s31+$0x16000] =	vst v5  }
0x45: {  	v5 =	vshll.u32 v8, $0x10;
	v8 =	vshrl.u32 v4, v2;
	v2 =	vld [tilespmem:s30+$0x4000]  }
0x46: {  	v4 =	vld [tilespmem:s30+$0xA000];
	[tilespmem:s31+$0x10000] =	vst v5;
	v5 =	vshll.u32 v8, $0x10;
	v6 =	vshrl.u32 v7, v6  }
0x47: {  	v7 =	vld [tilespmem:s30+$0xC000];
	_ =	sdelay $0x1  }
0x48: {  	[tilespmem:s31+$0x12000] =	vst v5;
	v60 =	vshll.u32 v6, $0x10;
	v3 =	vshrl.u32 v3, v0  }
0x49: {  	[tilespmem:s31+$0x14000] =	vst v60;
	v3 =	vshll.u32 v3, $0x10;
	v1 =	vshrl.u32 v1, v2  }
0x4a: {  	[tilespmem:s30+$0x16000] =	vst v3;
	v1 =	vshll.u32 v1, $0x10;
	v61 =	vshrl.u32 v4, v2  }
0x4b: {  	[tilespmem:s30+$0x10000] =	vst v1;
	v62 =	vshll.u32 v61, $0x10;
	v63 =	vshrl.u32 v7, v0  }
0x4c: {  	[tilespmem:s30+$0x12000] =	vst v62;
	v0 =	vshll.u32 v63, $0x10  }
0x4d: {  	[tilespmem:s30+$0x14000] =	vst v0  }
0x4e: {  	[hbm4b:s9+s2] =	stream.linear.scatter [tilespmem:s23], [sflag:$0x2], $0x2000, $0x38;
	[tilespmem:$0x18000] =	vst v63  }
0x4f: {  	_ = 	snop  }
0x50: {  	[hbm4b:s10+s2] =	stream.linear.scatter [tilespmem:s24], [sflag:$0x2], $0x2000, $0x38;
	[tilespmem:$0x18000] =	vst v63  }
0x51: {  	_ = 	snop  }
0x52: {  	[hbm4b:s11+s2] =	stream.linear.scatter [tilespmem:s25], [sflag:$0x2], $0x2000, $0x38;
	[tilespmem:$0x18000] =	vst v63  }
0x53: {  	_ = 	snop  }
0x54: {  	[hbm4b:s12+s2] =	stream.linear.scatter [tilespmem:s26], [sflag:$0x2], $0x2000, $0x38;
	[tilespmem:$0x18000] =	vst v63  }
0x55: {  	_ =	swait.ge [sflag:s28], $0x2000  }
0x56: {  	[sflag:s28] =	ssyncset.done $0x0  }
0x57: {  	[sflag:s28] =	ssyncadd.s32 $0xFFFFE000  }
0x58: {  	_ =	swait.ge [sflag:s28], $0x2000  }
0x59: {  	[sflag:s28] =	ssyncset.done $0x0  }
0x5a: {  	s29 =	sadd.s32 $0x1, s29;
	[sflag:s28] =	ssyncadd.s32 $0xFFFFE000  }
0x5b: {  	p0 =	sne.s32 s29, s13;
	_ =	swait.ge [sflag:s28], $0x2000  }
.Ltmp1:
0x5c: {  	[sflag:s28] =	ssyncset.done $0x0;
	(pc) =	sbr.rel @p0 .LBB2_1-.Ltmp1, $4  }
0x5d: {  	[sflag:s28] =	ssyncadd.s32 $0xFFFFE000  }
0x5e: {  	_ =	swait.ge [sflag:s28], $0x2000  }
0x5f: {  	[sflag:s28] =	ssyncset.done $0x0  }
0x60: {  	[sflag:s28] =	ssyncadd.s32 $0xFFFFE000  }
0x61: {  	_ =	sfence.sel $0x180000  }
0x62: {  	[bflag:$0x0] =	sbarrier.arrive $0xFFFF  }
0x63: {  	_ =	strace $0x90000047  }
0x64: {  	s0 =	stileid.u32;
	[bflag:$0x2] =	sbarrier.arrive $0xFFFF  }
0x65: {  	p0 =	sne.s32 s0, $0x0;
	s0 =	rddreg [dreg:$0x5]  }
0x66: {  	s0 =	sadd.s32 @!p0 $0x100000, s0  }
0x67: {  	[sflag:s0] =	ssyncadd.tile.s32 @!p0 $0x1;
	_ =	shalt  }
.Lfunc_end2:
_tile_overlayer_lowered:
.L_overlay_start_2:
0x68: {  	(tag) =	ssettag $0x2  }
0x69: {  	s0 =	rddreg [dreg:$0x0];
	s2 =	stileid.u32  }
0x6a: {  	s1 =	rddreg [dreg:$0x1];
	p0 =	sne.s32 s2, $0x0  }
0x6b: {  	s3 =	rddreg [dreg:$0x2];
	[bflag:$0x3] =	sbarrier.arrive $0xFFFF;
	s2 =	simm.s32 @!p0 $0x1C03  }
0x6c: {  	[timem:s3], [sflag:s2] =	dma.local @!p0 [hbm:s0], s1  }
0x6d: {  	s0 =	simm.s32 @!p0 $0x3  }
0x6e: {  	_ =	swait.ge @!p0 [sflag:s0], s1  }
0x6f: {  	s1 =	ssub.s32 @!p0 $0x0, s1;
	[sflag:s0] =	ssyncset.done @!p0 $0x0  }
0x70: {  	[sflag:s0] =	ssyncadd.s32 @!p0 s1  }
0x71: {  	[bflag:$0x3] =	sbarrier.arrive $0xFFFF  }
0x72: {  	_ =	shalt  }

</sc_bundles>
